<compile_context>
chip_gen: v7x
topology: tpu7x:2x2x1
jax: 0.10.2.dev20260603
libtpu: 0.0.44.dev20260713+nightly
codegen_flags: <defaults>
</compile_context>

<pallas_src>
import functools

import jax
import jax.numpy as jnp
from jax import lax
from jax.experimental import pallas as pl
from jax.experimental.pallas import tpu as pltpu
from jax.experimental.pallas import tpu_sc as plsc

_info = plsc.get_sparse_core_info()
NC = _info.num_cores
NS = _info.num_subcores
NW = NC * NS

CHUNK = 16
NBUF = 6


def _make_gather(batch_total: int, d_model: int):
    assert batch_total % NW == 0
    b_per_w = batch_total // NW
    assert b_per_w % CHUNK == 0
    n_chunks = b_per_w // CHUNK
    n_main = n_chunks // NBUF
    tail = n_chunks - n_main * NBUF
    assert n_main >= 2

    mesh = plsc.VectorSubcoreMesh(core_axis_name="c", subcore_axis_name="s")

    @functools.partial(
        pl.kernel,
        mesh=mesh,
        out_type=jax.ShapeDtypeStruct((batch_total, d_model), jnp.float32),
        scratch_types=[
            pltpu.VMEM((n_chunks, CHUNK), jnp.int32),
        ] + [pltpu.VMEM((CHUNK, d_model), jnp.float32)] * NBUF
          + [pltpu.SemaphoreType.DMA] * (2 * NBUF),
    )
    def gather_k(ids_hbm, table_hbm, out_hbm, idx_v, *rest):
        bufs = rest[:NBUF]
        gsems = rest[NBUF:2 * NBUF]
        osems = rest[2 * NBUF:]
        wid = lax.axis_index("s") * NC + lax.axis_index("c")
        pltpu.sync_copy(ids_hbm.at[wid], idx_v)
        base = wid * b_per_w

        def out_at(c):
            return out_hbm.at[pl.ds(base + c * CHUNK, CHUNK)]

        def start_gather(c, b):
            pltpu.async_copy(table_hbm.at[idx_v.at[c]], bufs[b], gsems[b])

        def wait_gather(c, b):
            pltpu.make_async_copy(table_hbm.at[idx_v.at[c]], bufs[b],
                                  gsems[b]).wait()

        def start_out(c, b):
            pltpu.async_copy(bufs[b], out_at(c), osems[b])

        def wait_out(c, b):
            pltpu.make_async_copy(bufs[b], out_at(c), osems[b]).wait()

        for b in range(NBUF):
            start_gather(b, b)
        for b in range(NBUF):
            wait_gather(b, b)
            start_out(b, b)

        @pl.loop(1, n_main)
        def _group(j):
            c = j * NBUF
            for b in range(NBUF):
                wait_out(c + b - NBUF, b)
                start_gather(c + b, b)
            for b in range(NBUF):
                wait_gather(c + b, b)
                start_out(c + b, b)

        c0 = n_main * NBUF
        for b in range(tail):
            wait_out(c0 + b - NBUF, b)
            start_gather(c0 + b, b)
        for b in range(tail):
            wait_gather(c0 + b, b)
            start_out(c0 + b, b)

        for c in range(n_chunks - NBUF, n_chunks):
            wait_out(c, c % NBUF)

    return gather_k


def kernel(input_ids, word_embeddings):
    batch, seqlen = input_ids.shape
    total = batch * seqlen
    d_model = word_embeddings.shape[1]
    b_per_w = total // NW
    ids = input_ids.reshape(NW, b_per_w // CHUNK, CHUNK)
    out = _make_gather(total, d_model)(ids, word_embeddings)
    return out.reshape(batch, seqlen, d_model)

# --- scband reference (transcript-rebuilt; emitter-appended) ---
"""Pipeline reference for scband-hyena-embeddings-14972255994532 (READ-ONLY COPY).

The authoritative reference and input builder live on the scoring server;
editing this copy changes nothing except your own understanding.
"""

import jax, jax.numpy as jnp
import numpy as np

VOCAB = 100000
D_MODEL = 1024
BATCH = 4
SEQLEN = 8192

def setup_inputs(seed: int = 0) -> dict:
    key = jax.random.key(seed)
    k_idx, k_tab = jax.random.split(key)
    input_ids = jax.random.randint(k_idx, (BATCH, SEQLEN), 0, VOCAB)
    # learned parameter: word embedding table (vocab_size already a multiple of 8)
    word_embeddings = jax.random.normal(k_tab, (VOCAB, D_MODEL), dtype=jnp.float32) * 0.02
    return {"input_ids": input_ids, "word_embeddings": word_embeddings}

def reference(input_ids, word_embeddings):
    # HyenaEmbeddings.forward: embeddings = self.word_embeddings(input_ids)
    embeddings = jnp.take(word_embeddings, input_ids, axis=0)
    return embeddings

if __name__ == "__main__":
    import jax
    _d = setup_inputs()
    print(jax.jit(kernel)(*tuple(_d.values())))

</pallas_src>

<mosaic_0001>
#map = affine_map<(d0, d1) -> (0, 0, 0)>
#map1 = affine_map<(d0, d1) -> (0, 0)>
module attributes {stable_mosaic.version = 14 : i64} {
  func.func @gather_k(%arg0: i32, %arg1: i32, %arg2: memref<32x64x16xi32, #tpu.memory_space<hbm>>, %arg3: memref<100000x1024xf32, #tpu.memory_space<hbm>>, %arg4: memref<32768x1024xf32, #tpu.memory_space<hbm>>, %arg5: memref<64x16xi32, #tpu.memory_space<vmem>>, %arg6: memref<16x1024xf32, #tpu.memory_space<vmem>>, %arg7: memref<16x1024xf32, #tpu.memory_space<vmem>>, %arg8: memref<16x1024xf32, #tpu.memory_space<vmem>>, %arg9: memref<16x1024xf32, #tpu.memory_space<vmem>>, %arg10: memref<16x1024xf32, #tpu.memory_space<vmem>>, %arg11: memref<16x1024xf32, #tpu.memory_space<vmem>>, %arg12: memref<!tpu.dma_semaphore, #tpu.memory_space<semaphore_mem>>, %arg13: memref<!tpu.dma_semaphore, #tpu.memory_space<semaphore_mem>>, %arg14: memref<!tpu.dma_semaphore, #tpu.memory_space<semaphore_mem>>, %arg15: memref<!tpu.dma_semaphore, #tpu.memory_space<semaphore_mem>>, %arg16: memref<!tpu.dma_semaphore, #tpu.memory_space<semaphore_mem>>, %arg17: memref<!tpu.dma_semaphore, #tpu.memory_space<semaphore_mem>>, %arg18: memref<!tpu.dma_semaphore, #tpu.memory_space<semaphore_mem>>, %arg19: memref<!tpu.dma_semaphore, #tpu.memory_space<semaphore_mem>>, %arg20: memref<!tpu.dma_semaphore, #tpu.memory_space<semaphore_mem>>, %arg21: memref<!tpu.dma_semaphore, #tpu.memory_space<semaphore_mem>>, %arg22: memref<!tpu.dma_semaphore, #tpu.memory_space<semaphore_mem>>, %arg23: memref<!tpu.dma_semaphore, #tpu.memory_space<semaphore_mem>>) attributes {dimension_semantics = [#tpu.dimension_semantics<core_parallel>, #tpu.dimension_semantics<subcore_parallel>], iteration_bounds = array<i64: 2, 16>, scalar_prefetch = 0 : i64, scratch_operands = 19 : i64, tpu.core_type = #tpu.core_type<sc_vector_subcore>, window_params = [{transform_indices = #map}, {transform_indices = #map1}, {transform_indices = #map1}]} {
    %mul3A = arith.constant 2 : i32
    %mul3A_0 = arith.muli %arg1, %mul3A : i32
    %add3A = arith.addi %mul3A_0, %arg0 : i32
    "tpu.region"() ({
      %run_scoped3A = tpu.sem_alloc : memref<!tpu.dma_semaphore, #tpu.memory_space<semaphore_mem>>
      %dma_start3A_265 = arith.constant 0 : i32
      %dma_start3A_266 = arith.constant 0 : i32
      %dma_start3A_267 = tpu.memref_slice %arg2[%add3A, %dma_start3A_265, %dma_start3A_266] : memref<32x64x16xi32, #tpu.memory_space<hbm>> -> memref<1x64x16xi32, #tpu.memory_space<hbm>>
      %dma_start3A_268 = tpu.memref_squeeze %dma_start3A_267 : memref<1x64x16xi32, #tpu.memory_space<hbm>> -> memref<64x16xi32, #tpu.memory_space<hbm>>
      %dma_start3A_269 = arith.constant 0 : i32
      %dma_start3A_270 = arith.constant 0 : i32
      %dma_start3A_271 = tpu.memref_slice %arg2[%add3A, %dma_start3A_269, %dma_start3A_270] : memref<32x64x16xi32, #tpu.memory_space<hbm>> -> memref<1x64x16xi32, #tpu.memory_space<hbm>>
      %dma_start3A_272 = tpu.memref_squeeze %dma_start3A_271 : memref<1x64x16xi32, #tpu.memory_space<hbm>> -> memref<64x16xi32, #tpu.memory_space<hbm>>
      tpu.enqueue_dma source(%dma_start3A_272 : memref<64x16xi32, #tpu.memory_space<hbm>>) target(%arg5 : memref<64x16xi32, #tpu.memory_space<vmem>>) target_semaphore(%run_scoped3A : memref<!tpu.dma_semaphore, #tpu.memory_space<semaphore_mem>>)
      %dma_wait3A_273 = arith.constant 0 : i32
      %dma_wait3A_274 = arith.constant 0 : i32
      %dma_wait3A_275 = tpu.memref_slice %arg2[%add3A, %dma_wait3A_273, %dma_wait3A_274] : memref<32x64x16xi32, #tpu.memory_space<hbm>> -> memref<1x64x16xi32, #tpu.memory_space<hbm>>
      %dma_wait3A_276 = tpu.memref_squeeze %dma_wait3A_275 : memref<1x64x16xi32, #tpu.memory_space<hbm>> -> memref<64x16xi32, #tpu.memory_space<hbm>>
      %dma_wait3A_277 = arith.constant 0 : i32
      %dma_wait3A_278 = arith.constant 0 : i32
      %dma_wait3A_279 = tpu.memref_slice %arg2[%add3A, %dma_wait3A_277, %dma_wait3A_278] : memref<32x64x16xi32, #tpu.memory_space<hbm>> -> memref<1x64x16xi32, #tpu.memory_space<hbm>>
      %dma_wait3A_280 = tpu.memref_squeeze %dma_wait3A_279 : memref<1x64x16xi32, #tpu.memory_space<hbm>> -> memref<64x16xi32, #tpu.memory_space<hbm>>
      tpu.wait_dma2 semaphore(%run_scoped3A : memref<!tpu.dma_semaphore, #tpu.memory_space<semaphore_mem>>) src(%dma_wait3A_280 : memref<64x16xi32, #tpu.memory_space<hbm>>) dst(%arg5 : memref<64x16xi32, #tpu.memory_space<vmem>>)
      tpu.yield
    }) : () -> ()
    %mul3A_1 = arith.constant 1024 : i32
    %mul3A_2 = arith.muli %add3A, %mul3A_1 : i32
    %dma_start3A = arith.constant 0 : i32
    %dma_start3A_3 = arith.constant 0 : i32
    %dma_start3A_4 = tpu.memref_slice %arg5[%dma_start3A, %dma_start3A_3] : memref<64x16xi32, #tpu.memory_space<vmem>> -> memref<1x16xi32, #tpu.memory_space<vmem>>
    %dma_start3A_5 = tpu.memref_squeeze %dma_start3A_4 : memref<1x16xi32, #tpu.memory_space<vmem>> -> memref<16xi32, #tpu.memory_space<vmem>>
    %dma_start3A_6 = arith.constant 0 : i32
    %dma_start3A_7 = arith.constant 0 : i32
    %dma_start3A_8 = tpu.memref_slice %arg3[%dma_start3A_6, %dma_start3A_7] : memref<100000x1024xf32, #tpu.memory_space<hbm>> -> memref<100000x1024xf32, #tpu.memory_space<hbm>>
    tpu.enqueue_indirect_dma source(%dma_start3A_8 : memref<100000x1024xf32, #tpu.memory_space<hbm>>) target(%arg6 : memref<16x1024xf32, #tpu.memory_space<vmem>>) offsets(%dma_start3A_5 : memref<16xi32, #tpu.memory_space<vmem>>) semaphore(%arg12 : memref<!tpu.dma_semaphore, #tpu.memory_space<semaphore_mem>>)
    %dma_start3A_9 = arith.constant 1 : i32
    %dma_start3A_10 = arith.constant 0 : i32
    %dma_start3A_11 = tpu.memref_slice %arg5[%dma_start3A_9, %dma_start3A_10] : memref<64x16xi32, #tpu.memory_space<vmem>> -> memref<1x16xi32, #tpu.memory_space<vmem>>
    %dma_start3A_12 = tpu.memref_squeeze %dma_start3A_11 : memref<1x16xi32, #tpu.memory_space<vmem>> -> memref<16xi32, #tpu.memory_space<vmem>>
    %dma_start3A_13 = arith.constant 0 : i32
    %dma_start3A_14 = arith.constant 0 : i32
    %dma_start3A_15 = tpu.memref_slice %arg3[%dma_start3A_13, %dma_start3A_14] : memref<100000x1024xf32, #tpu.memory_space<hbm>> -> memref<100000x1024xf32, #tpu.memory_space<hbm>>
    tpu.enqueue_indirect_dma source(%dma_start3A_15 : memref<100000x1024xf32, #tpu.memory_space<hbm>>) target(%arg7 : memref<16x1024xf32, #tpu.memory_space<vmem>>) offsets(%dma_start3A_12 : memref<16xi32, #tpu.memory_space<vmem>>) semaphore(%arg13 : memref<!tpu.dma_semaphore, #tpu.memory_space<semaphore_mem>>)
    %dma_start3A_16 = arith.constant 2 : i32
    %dma_start3A_17 = arith.constant 0 : i32
    %dma_start3A_18 = tpu.memref_slice %arg5[%dma_start3A_16, %dma_start3A_17] : memref<64x16xi32, #tpu.memory_space<vmem>> -> memref<1x16xi32, #tpu.memory_space<vmem>>
    %dma_start3A_19 = tpu.memref_squeeze %dma_start3A_18 : memref<1x16xi32, #tpu.memory_space<vmem>> -> memref<16xi32, #tpu.memory_space<vmem>>
    %dma_start3A_20 = arith.constant 0 : i32
    %dma_start3A_21 = arith.constant 0 : i32
    %dma_start3A_22 = tpu.memref_slice %arg3[%dma_start3A_20, %dma_start3A_21] : memref<100000x1024xf32, #tpu.memory_space<hbm>> -> memref<100000x1024xf32, #tpu.memory_space<hbm>>
    tpu.enqueue_indirect_dma source(%dma_start3A_22 : memref<100000x1024xf32, #tpu.memory_space<hbm>>) target(%arg8 : memref<16x1024xf32, #tpu.memory_space<vmem>>) offsets(%dma_start3A_19 : memref<16xi32, #tpu.memory_space<vmem>>) semaphore(%arg14 : memref<!tpu.dma_semaphore, #tpu.memory_space<semaphore_mem>>)
    %dma_start3A_23 = arith.constant 3 : i32
    %dma_start3A_24 = arith.constant 0 : i32
    %dma_start3A_25 = tpu.memref_slice %arg5[%dma_start3A_23, %dma_start3A_24] : memref<64x16xi32, #tpu.memory_space<vmem>> -> memref<1x16xi32, #tpu.memory_space<vmem>>
    %dma_start3A_26 = tpu.memref_squeeze %dma_start3A_25 : memref<1x16xi32, #tpu.memory_space<vmem>> -> memref<16xi32, #tpu.memory_space<vmem>>
    %dma_start3A_27 = arith.constant 0 : i32
    %dma_start3A_28 = arith.constant 0 : i32
    %dma_start3A_29 = tpu.memref_slice %arg3[%dma_start3A_27, %dma_start3A_28] : memref<100000x1024xf32, #tpu.memory_space<hbm>> -> memref<100000x1024xf32, #tpu.memory_space<hbm>>
    tpu.enqueue_indirect_dma source(%dma_start3A_29 : memref<100000x1024xf32, #tpu.memory_space<hbm>>) target(%arg9 : memref<16x1024xf32, #tpu.memory_space<vmem>>) offsets(%dma_start3A_26 : memref<16xi32, #tpu.memory_space<vmem>>) semaphore(%arg15 : memref<!tpu.dma_semaphore, #tpu.memory_space<semaphore_mem>>)
    %dma_start3A_30 = arith.constant 4 : i32
    %dma_start3A_31 = arith.constant 0 : i32
    %dma_start3A_32 = tpu.memref_slice %arg5[%dma_start3A_30, %dma_start3A_31] : memref<64x16xi32, #tpu.memory_space<vmem>> -> memref<1x16xi32, #tpu.memory_space<vmem>>
    %dma_start3A_33 = tpu.memref_squeeze %dma_start3A_32 : memref<1x16xi32, #tpu.memory_space<vmem>> -> memref<16xi32, #tpu.memory_space<vmem>>
    %dma_start3A_34 = arith.constant 0 : i32
    %dma_start3A_35 = arith.constant 0 : i32
    %dma_start3A_36 = tpu.memref_slice %arg3[%dma_start3A_34, %dma_start3A_35] : memref<100000x1024xf32, #tpu.memory_space<hbm>> -> memref<100000x1024xf32, #tpu.memory_space<hbm>>
    tpu.enqueue_indirect_dma source(%dma_start3A_36 : memref<100000x1024xf32, #tpu.memory_space<hbm>>) target(%arg10 : memref<16x1024xf32, #tpu.memory_space<vmem>>) offsets(%dma_start3A_33 : memref<16xi32, #tpu.memory_space<vmem>>) semaphore(%arg16 : memref<!tpu.dma_semaphore, #tpu.memory_space<semaphore_mem>>)
    %dma_start3A_37 = arith.constant 5 : i32
    %dma_start3A_38 = arith.constant 0 : i32
    %dma_start3A_39 = tpu.memref_slice %arg5[%dma_start3A_37, %dma_start3A_38] : memref<64x16xi32, #tpu.memory_space<vmem>> -> memref<1x16xi32, #tpu.memory_space<vmem>>
    %dma_start3A_40 = tpu.memref_squeeze %dma_start3A_39 : memref<1x16xi32, #tpu.memory_space<vmem>> -> memref<16xi32, #tpu.memory_space<vmem>>
    %dma_start3A_41 = arith.constant 0 : i32
    %dma_start3A_42 = arith.constant 0 : i32
    %dma_start3A_43 = tpu.memref_slice %arg3[%dma_start3A_41, %dma_start3A_42] : memref<100000x1024xf32, #tpu.memory_space<hbm>> -> memref<100000x1024xf32, #tpu.memory_space<hbm>>
    tpu.enqueue_indirect_dma source(%dma_start3A_43 : memref<100000x1024xf32, #tpu.memory_space<hbm>>) target(%arg11 : memref<16x1024xf32, #tpu.memory_space<vmem>>) offsets(%dma_start3A_40 : memref<16xi32, #tpu.memory_space<vmem>>) semaphore(%arg17 : memref<!tpu.dma_semaphore, #tpu.memory_space<semaphore_mem>>)
    %dma_wait3A = arith.constant 0 : i32
    %dma_wait3A_44 = arith.constant 0 : i32
    %dma_wait3A_45 = tpu.memref_slice %arg5[%dma_wait3A, %dma_wait3A_44] : memref<64x16xi32, #tpu.memory_space<vmem>> -> memref<1x16xi32, #tpu.memory_space<vmem>>
    %dma_wait3A_46 = tpu.memref_squeeze %dma_wait3A_45 : memref<1x16xi32, #tpu.memory_space<vmem>> -> memref<16xi32, #tpu.memory_space<vmem>>
    %dma_wait3A_47 = arith.constant 0 : i32
    %dma_wait3A_48 = arith.constant 0 : i32
    %dma_wait3A_49 = tpu.memref_slice %arg3[%dma_wait3A_47, %dma_wait3A_48] : memref<100000x1024xf32, #tpu.memory_space<hbm>> -> memref<100000x1024xf32, #tpu.memory_space<hbm>>
    tpu.wait_indirect_dma semaphore(%arg12 : memref<!tpu.dma_semaphore, #tpu.memory_space<semaphore_mem>>) src(%dma_wait3A_49 : memref<100000x1024xf32, #tpu.memory_space<hbm>>) dst(%arg6 : memref<16x1024xf32, #tpu.memory_space<vmem>>)
    %add3A_50 = arith.constant 0 : i32
    %add3A_51 = arith.addi %mul3A_2, %add3A_50 : i32
    %dma_start3A_52 = arith.constant 0 : i32
    %dma_start3A_53 = tpu.memref_slice %arg4[%add3A_51, %dma_start3A_52] : memref<32768x1024xf32, #tpu.memory_space<hbm>> -> memref<16x1024xf32, #tpu.memory_space<hbm>>
    %dma_start3A_54 = arith.constant 0 : i32
    %dma_start3A_55 = tpu.memref_slice %arg4[%add3A_51, %dma_start3A_54] : memref<32768x1024xf32, #tpu.memory_space<hbm>> -> memref<16x1024xf32, #tpu.memory_space<hbm>>
    tpu.enqueue_dma source(%arg6 : memref<16x1024xf32, #tpu.memory_space<vmem>>) target(%dma_start3A_55 : memref<16x1024xf32, #tpu.memory_space<hbm>>) target_semaphore(%arg18 : memref<!tpu.dma_semaphore, #tpu.memory_space<semaphore_mem>>)
    %dma_wait3A_56 = arith.constant 1 : i32
    %dma_wait3A_57 = arith.constant 0 : i32
    %dma_wait3A_58 = tpu.memref_slice %arg5[%dma_wait3A_56, %dma_wait3A_57] : memref<64x16xi32, #tpu.memory_space<vmem>> -> memref<1x16xi32, #tpu.memory_space<vmem>>
    %dma_wait3A_59 = tpu.memref_squeeze %dma_wait3A_58 : memref<1x16xi32, #tpu.memory_space<vmem>> -> memref<16xi32, #tpu.memory_space<vmem>>
    %dma_wait3A_60 = arith.constant 0 : i32
    %dma_wait3A_61 = arith.constant 0 : i32
    %dma_wait3A_62 = tpu.memref_slice %arg3[%dma_wait3A_60, %dma_wait3A_61] : memref<100000x1024xf32, #tpu.memory_space<hbm>> -> memref<100000x1024xf32, #tpu.memory_space<hbm>>
    tpu.wait_indirect_dma semaphore(%arg13 : memref<!tpu.dma_semaphore, #tpu.memory_space<semaphore_mem>>) src(%dma_wait3A_62 : memref<100000x1024xf32, #tpu.memory_space<hbm>>) dst(%arg7 : memref<16x1024xf32, #tpu.memory_space<vmem>>)
    %add3A_63 = arith.constant 16 : i32
    %add3A_64 = arith.addi %mul3A_2, %add3A_63 : i32
    %dma_start3A_65 = arith.constant 0 : i32
    %dma_start3A_66 = tpu.memref_slice %arg4[%add3A_64, %dma_start3A_65] : memref<32768x1024xf32, #tpu.memory_space<hbm>> -> memref<16x1024xf32, #tpu.memory_space<hbm>>
    %dma_start3A_67 = arith.constant 0 : i32
    %dma_start3A_68 = tpu.memref_slice %arg4[%add3A_64, %dma_start3A_67] : memref<32768x1024xf32, #tpu.memory_space<hbm>> -> memref<16x1024xf32, #tpu.memory_space<hbm>>
    tpu.enqueue_dma source(%arg7 : memref<16x1024xf32, #tpu.memory_space<vmem>>) target(%dma_start3A_68 : memref<16x1024xf32, #tpu.memory_space<hbm>>) target_semaphore(%arg19 : memref<!tpu.dma_semaphore, #tpu.memory_space<semaphore_mem>>)
    %dma_wait3A_69 = arith.constant 2 : i32
    %dma_wait3A_70 = arith.constant 0 : i32
    %dma_wait3A_71 = tpu.memref_slice %arg5[%dma_wait3A_69, %dma_wait3A_70] : memref<64x16xi32, #tpu.memory_space<vmem>> -> memref<1x16xi32, #tpu.memory_space<vmem>>
    %dma_wait3A_72 = tpu.memref_squeeze %dma_wait3A_71 : memref<1x16xi32, #tpu.memory_space<vmem>> -> memref<16xi32, #tpu.memory_space<vmem>>
    %dma_wait3A_73 = arith.constant 0 : i32
    %dma_wait3A_74 = arith.constant 0 : i32
    %dma_wait3A_75 = tpu.memref_slice %arg3[%dma_wait3A_73, %dma_wait3A_74] : memref<100000x1024xf32, #tpu.memory_space<hbm>> -> memref<100000x1024xf32, #tpu.memory_space<hbm>>
    tpu.wait_indirect_dma semaphore(%arg14 : memref<!tpu.dma_semaphore, #tpu.memory_space<semaphore_mem>>) src(%dma_wait3A_75 : memref<100000x1024xf32, #tpu.memory_space<hbm>>) dst(%arg8 : memref<16x1024xf32, #tpu.memory_space<vmem>>)
    %add3A_76 = arith.constant 32 : i32
    %add3A_77 = arith.addi %mul3A_2, %add3A_76 : i32
    %dma_start3A_78 = arith.constant 0 : i32
    %dma_start3A_79 = tpu.memref_slice %arg4[%add3A_77, %dma_start3A_78] : memref<32768x1024xf32, #tpu.memory_space<hbm>> -> memref<16x1024xf32, #tpu.memory_space<hbm>>
    %dma_start3A_80 = arith.constant 0 : i32
    %dma_start3A_81 = tpu.memref_slice %arg4[%add3A_77, %dma_start3A_80] : memref<32768x1024xf32, #tpu.memory_space<hbm>> -> memref<16x1024xf32, #tpu.memory_space<hbm>>
    tpu.enqueue_dma source(%arg8 : memref<16x1024xf32, #tpu.memory_space<vmem>>) target(%dma_start3A_81 : memref<16x1024xf32, #tpu.memory_space<hbm>>) target_semaphore(%arg20 : memref<!tpu.dma_semaphore, #tpu.memory_space<semaphore_mem>>)
    %dma_wait3A_82 = arith.constant 3 : i32
    %dma_wait3A_83 = arith.constant 0 : i32
    %dma_wait3A_84 = tpu.memref_slice %arg5[%dma_wait3A_82, %dma_wait3A_83] : memref<64x16xi32, #tpu.memory_space<vmem>> -> memref<1x16xi32, #tpu.memory_space<vmem>>
    %dma_wait3A_85 = tpu.memref_squeeze %dma_wait3A_84 : memref<1x16xi32, #tpu.memory_space<vmem>> -> memref<16xi32, #tpu.memory_space<vmem>>
    %dma_wait3A_86 = arith.constant 0 : i32
    %dma_wait3A_87 = arith.constant 0 : i32
    %dma_wait3A_88 = tpu.memref_slice %arg3[%dma_wait3A_86, %dma_wait3A_87] : memref<100000x1024xf32, #tpu.memory_space<hbm>> -> memref<100000x1024xf32, #tpu.memory_space<hbm>>
    tpu.wait_indirect_dma semaphore(%arg15 : memref<!tpu.dma_semaphore, #tpu.memory_space<semaphore_mem>>) src(%dma_wait3A_88 : memref<100000x1024xf32, #tpu.memory_space<hbm>>) dst(%arg9 : memref<16x1024xf32, #tpu.memory_space<vmem>>)
    %add3A_89 = arith.constant 48 : i32
    %add3A_90 = arith.addi %mul3A_2, %add3A_89 : i32
    %dma_start3A_91 = arith.constant 0 : i32
    %dma_start3A_92 = tpu.memref_slice %arg4[%add3A_90, %dma_start3A_91] : memref<32768x1024xf32, #tpu.memory_space<hbm>> -> memref<16x1024xf32, #tpu.memory_space<hbm>>
    %dma_start3A_93 = arith.constant 0 : i32
    %dma_start3A_94 = tpu.memref_slice %arg4[%add3A_90, %dma_start3A_93] : memref<32768x1024xf32, #tpu.memory_space<hbm>> -> memref<16x1024xf32, #tpu.memory_space<hbm>>
    tpu.enqueue_dma source(%arg9 : memref<16x1024xf32, #tpu.memory_space<vmem>>) target(%dma_start3A_94 : memref<16x1024xf32, #tpu.memory_space<hbm>>) target_semaphore(%arg21 : memref<!tpu.dma_semaphore, #tpu.memory_space<semaphore_mem>>)
    %dma_wait3A_95 = arith.constant 4 : i32
    %dma_wait3A_96 = arith.constant 0 : i32
    %dma_wait3A_97 = tpu.memref_slice %arg5[%dma_wait3A_95, %dma_wait3A_96] : memref<64x16xi32, #tpu.memory_space<vmem>> -> memref<1x16xi32, #tpu.memory_space<vmem>>
    %dma_wait3A_98 = tpu.memref_squeeze %dma_wait3A_97 : memref<1x16xi32, #tpu.memory_space<vmem>> -> memref<16xi32, #tpu.memory_space<vmem>>
    %dma_wait3A_99 = arith.constant 0 : i32
    %dma_wait3A_100 = arith.constant 0 : i32
    %dma_wait3A_101 = tpu.memref_slice %arg3[%dma_wait3A_99, %dma_wait3A_100] : memref<100000x1024xf32, #tpu.memory_space<hbm>> -> memref<100000x1024xf32, #tpu.memory_space<hbm>>
    tpu.wait_indirect_dma semaphore(%arg16 : memref<!tpu.dma_semaphore, #tpu.memory_space<semaphore_mem>>) src(%dma_wait3A_101 : memref<100000x1024xf32, #tpu.memory_space<hbm>>) dst(%arg10 : memref<16x1024xf32, #tpu.memory_space<vmem>>)
    %add3A_102 = arith.constant 64 : i32
    %add3A_103 = arith.addi %mul3A_2, %add3A_102 : i32
    %dma_start3A_104 = arith.constant 0 : i32
    %dma_start3A_105 = tpu.memref_slice %arg4[%add3A_103, %dma_start3A_104] : memref<32768x1024xf32, #tpu.memory_space<hbm>> -> memref<16x1024xf32, #tpu.memory_space<hbm>>
    %dma_start3A_106 = arith.constant 0 : i32
    %dma_start3A_107 = tpu.memref_slice %arg4[%add3A_103, %dma_start3A_106] : memref<32768x1024xf32, #tpu.memory_space<hbm>> -> memref<16x1024xf32, #tpu.memory_space<hbm>>
    tpu.enqueue_dma source(%arg10 : memref<16x1024xf32, #tpu.memory_space<vmem>>) target(%dma_start3A_107 : memref<16x1024xf32, #tpu.memory_space<hbm>>) target_semaphore(%arg22 : memref<!tpu.dma_semaphore, #tpu.memory_space<semaphore_mem>>)
    %dma_wait3A_108 = arith.constant 5 : i32
    %dma_wait3A_109 = arith.constant 0 : i32
    %dma_wait3A_110 = tpu.memref_slice %arg5[%dma_wait3A_108, %dma_wait3A_109] : memref<64x16xi32, #tpu.memory_space<vmem>> -> memref<1x16xi32, #tpu.memory_space<vmem>>
    %dma_wait3A_111 = tpu.memref_squeeze %dma_wait3A_110 : memref<1x16xi32, #tpu.memory_space<vmem>> -> memref<16xi32, #tpu.memory_space<vmem>>
    %dma_wait3A_112 = arith.constant 0 : i32
    %dma_wait3A_113 = arith.constant 0 : i32
    %dma_wait3A_114 = tpu.memref_slice %arg3[%dma_wait3A_112, %dma_wait3A_113] : memref<100000x1024xf32, #tpu.memory_space<hbm>> -> memref<100000x1024xf32, #tpu.memory_space<hbm>>
    tpu.wait_indirect_dma semaphore(%arg17 : memref<!tpu.dma_semaphore, #tpu.memory_space<semaphore_mem>>) src(%dma_wait3A_114 : memref<100000x1024xf32, #tpu.memory_space<hbm>>) dst(%arg11 : memref<16x1024xf32, #tpu.memory_space<vmem>>)
    %add3A_115 = arith.constant 80 : i32
    %add3A_116 = arith.addi %mul3A_2, %add3A_115 : i32
    %dma_start3A_117 = arith.constant 0 : i32
    %dma_start3A_118 = tpu.memref_slice %arg4[%add3A_116, %dma_start3A_117] : memref<32768x1024xf32, #tpu.memory_space<hbm>> -> memref<16x1024xf32, #tpu.memory_space<hbm>>
    %dma_start3A_119 = arith.constant 0 : i32
    %dma_start3A_120 = tpu.memref_slice %arg4[%add3A_116, %dma_start3A_119] : memref<32768x1024xf32, #tpu.memory_space<hbm>> -> memref<16x1024xf32, #tpu.memory_space<hbm>>
    tpu.enqueue_dma source(%arg11 : memref<16x1024xf32, #tpu.memory_space<vmem>>) target(%dma_start3A_120 : memref<16x1024xf32, #tpu.memory_space<hbm>>) target_semaphore(%arg23 : memref<!tpu.dma_semaphore, #tpu.memory_space<semaphore_mem>>)
    %scan3A = arith.constant 0 : i32
    %scan3A_121 = arith.constant 9 : i32
    %scan3A_122 = arith.addi %scan3A, %scan3A_121 : i32
    %scan3A_123 = arith.constant 1 : i32
    scf.for %scan3A_265 = %scan3A to %scan3A_122 step %scan3A_123  : i32 {
      %mul3A_266 = arith.constant 1 : i32
      %mul3A_267 = arith.muli %scan3A_265, %mul3A_266 : i32
      %add3A_268 = arith.constant 1 : i32
      %add3A_269 = arith.addi %add3A_268, %mul3A_267 : i32
      %mul3A_270 = arith.constant 6 : i32
      %mul3A_271 = arith.muli %add3A_269, %mul3A_270 : i32
      %add3A_272 = arith.constant 0 : i32
      %add3A_273 = arith.addi %mul3A_271, %add3A_272 : i32
      %sub3A = arith.constant 6 : i32
      %sub3A_274 = arith.subi %add3A_273, %sub3A : i32
      %mul3A_275 = arith.constant 16 : i32
      %mul3A_276 = arith.muli %sub3A_274, %mul3A_275 : i32
      %add3A_277 = arith.addi %mul3A_2, %mul3A_276 : i32
      %dma_wait3A_278 = arith.constant 0 : i32
      %dma_wait3A_279 = tpu.memref_slice %arg4[%add3A_277, %dma_wait3A_278] : memref<32768x1024xf32, #tpu.memory_space<hbm>> -> memref<16x1024xf32, #tpu.memory_space<hbm>>
      %dma_wait3A_280 = arith.constant 0 : i32
      %dma_wait3A_281 = tpu.memref_slice %arg4[%add3A_277, %dma_wait3A_280] : memref<32768x1024xf32, #tpu.memory_space<hbm>> -> memref<16x1024xf32, #tpu.memory_space<hbm>>
      tpu.wait_dma2 semaphore(%arg18 : memref<!tpu.dma_semaphore, #tpu.memory_space<semaphore_mem>>) src(%arg6 : memref<16x1024xf32, #tpu.memory_space<vmem>>) dst(%dma_wait3A_281 : memref<16x1024xf32, #tpu.memory_space<hbm>>)
      %add3A_282 = arith.constant 0 : i32
      %add3A_283 = arith.addi %mul3A_271, %add3A_282 : i32
      %dma_start3A_284 = arith.constant 0 : i32
      %dma_start3A_285 = tpu.memref_slice %arg5[%add3A_283, %dma_start3A_284] : memref<64x16xi32, #tpu.memory_space<vmem>> -> memref<1x16xi32, #tpu.memory_space<vmem>>
      %dma_start3A_286 = tpu.memref_squeeze %dma_start3A_285 : memref<1x16xi32, #tpu.memory_space<vmem>> -> memref<16xi32, #tpu.memory_space<vmem>>
      %dma_start3A_287 = arith.constant 0 : i32
      %dma_start3A_288 = arith.constant 0 : i32
      %dma_start3A_289 = tpu.memref_slice %arg3[%dma_start3A_287, %dma_start3A_288] : memref<100000x1024xf32, #tpu.memory_space<hbm>> -> memref<100000x1024xf32, #tpu.memory_space<hbm>>
      tpu.enqueue_indirect_dma source(%dma_start3A_289 : memref<100000x1024xf32, #tpu.memory_space<hbm>>) target(%arg6 : memref<16x1024xf32, #tpu.memory_space<vmem>>) offsets(%dma_start3A_286 : memref<16xi32, #tpu.memory_space<vmem>>) semaphore(%arg12 : memref<!tpu.dma_semaphore, #tpu.memory_space<semaphore_mem>>)
      %add3A_290 = arith.constant 1 : i32
      %add3A_291 = arith.addi %mul3A_271, %add3A_290 : i32
      %sub3A_292 = arith.constant 6 : i32
      %sub3A_293 = arith.subi %add3A_291, %sub3A_292 : i32
      %mul3A_294 = arith.constant 16 : i32
      %mul3A_295 = arith.muli %sub3A_293, %mul3A_294 : i32
      %add3A_296 = arith.addi %mul3A_2, %mul3A_295 : i32
      %dma_wait3A_297 = arith.constant 0 : i32
      %dma_wait3A_298 = tpu.memref_slice %arg4[%add3A_296, %dma_wait3A_297] : memref<32768x1024xf32, #tpu.memory_space<hbm>> -> memref<16x1024xf32, #tpu.memory_space<hbm>>
      %dma_wait3A_299 = arith.constant 0 : i32
      %dma_wait3A_300 = tpu.memref_slice %arg4[%add3A_296, %dma_wait3A_299] : memref<32768x1024xf32, #tpu.memory_space<hbm>> -> memref<16x1024xf32, #tpu.memory_space<hbm>>
      tpu.wait_dma2 semaphore(%arg19 : memref<!tpu.dma_semaphore, #tpu.memory_space<semaphore_mem>>) src(%arg7 : memref<16x1024xf32, #tpu.memory_space<vmem>>) dst(%dma_wait3A_300 : memref<16x1024xf32, #tpu.memory_space<hbm>>)
      %add3A_301 = arith.constant 1 : i32
      %add3A_302 = arith.addi %mul3A_271, %add3A_301 : i32
      %dma_start3A_303 = arith.constant 0 : i32
      %dma_start3A_304 = tpu.memref_slice %arg5[%add3A_302, %dma_start3A_303] : memref<64x16xi32, #tpu.memory_space<vmem>> -> memref<1x16xi32, #tpu.memory_space<vmem>>
      %dma_start3A_305 = tpu.memref_squeeze %dma_start3A_304 : memref<1x16xi32, #tpu.memory_space<vmem>> -> memref<16xi32, #tpu.memory_space<vmem>>
      %dma_start3A_306 = arith.constant 0 : i32
      %dma_start3A_307 = arith.constant 0 : i32
      %dma_start3A_308 = tpu.memref_slice %arg3[%dma_start3A_306, %dma_start3A_307] : memref<100000x1024xf32, #tpu.memory_space<hbm>> -> memref<100000x1024xf32, #tpu.memory_space<hbm>>
      tpu.enqueue_indirect_dma source(%dma_start3A_308 : memref<100000x1024xf32, #tpu.memory_space<hbm>>) target(%arg7 : memref<16x1024xf32, #tpu.memory_space<vmem>>) offsets(%dma_start3A_305 : memref<16xi32, #tpu.memory_space<vmem>>) semaphore(%arg13 : memref<!tpu.dma_semaphore, #tpu.memory_space<semaphore_mem>>)
      %add3A_309 = arith.constant 2 : i32
      %add3A_310 = arith.addi %mul3A_271, %add3A_309 : i32
      %sub3A_311 = arith.constant 6 : i32
      %sub3A_312 = arith.subi %add3A_310, %sub3A_311 : i32
      %mul3A_313 = arith.constant 16 : i32
      %mul3A_314 = arith.muli %sub3A_312, %mul3A_313 : i32
      %add3A_315 = arith.addi %mul3A_2, %mul3A_314 : i32
      %dma_wait3A_316 = arith.constant 0 : i32
      %dma_wait3A_317 = tpu.memref_slice %arg4[%add3A_315, %dma_wait3A_316] : memref<32768x1024xf32, #tpu.memory_space<hbm>> -> memref<16x1024xf32, #tpu.memory_space<hbm>>
      %dma_wait3A_318 = arith.constant 0 : i32
      %dma_wait3A_319 = tpu.memref_slice %arg4[%add3A_315, %dma_wait3A_318] : memref<32768x1024xf32, #tpu.memory_space<hbm>> -> memref<16x1024xf32, #tpu.memory_space<hbm>>
      tpu.wait_dma2 semaphore(%arg20 : memref<!tpu.dma_semaphore, #tpu.memory_space<semaphore_mem>>) src(%arg8 : memref<16x1024xf32, #tpu.memory_space<vmem>>) dst(%dma_wait3A_319 : memref<16x1024xf32, #tpu.memory_space<hbm>>)
      %add3A_320 = arith.constant 2 : i32
      %add3A_321 = arith.addi %mul3A_271, %add3A_320 : i32
      %dma_start3A_322 = arith.constant 0 : i32
      %dma_start3A_323 = tpu.memref_slice %arg5[%add3A_321, %dma_start3A_322] : memref<64x16xi32, #tpu.memory_space<vmem>> -> memref<1x16xi32, #tpu.memory_space<vmem>>
      %dma_start3A_324 = tpu.memref_squeeze %dma_start3A_323 : memref<1x16xi32, #tpu.memory_space<vmem>> -> memref<16xi32, #tpu.memory_space<vmem>>
      %dma_start3A_325 = arith.constant 0 : i32
      %dma_start3A_326 = arith.constant 0 : i32
      %dma_start3A_327 = tpu.memref_slice %arg3[%dma_start3A_325, %dma_start3A_326] : memref<100000x1024xf32, #tpu.memory_space<hbm>> -> memref<100000x1024xf32, #tpu.memory_space<hbm>>
      tpu.enqueue_indirect_dma source(%dma_start3A_327 : memref<100000x1024xf32, #tpu.memory_space<hbm>>) target(%arg8 : memref<16x1024xf32, #tpu.memory_space<vmem>>) offsets(%dma_start3A_324 : memref<16xi32, #tpu.memory_space<vmem>>) semaphore(%arg14 : memref<!tpu.dma_semaphore, #tpu.memory_space<semaphore_mem>>)
      %add3A_328 = arith.constant 3 : i32
      %add3A_329 = arith.addi %mul3A_271, %add3A_328 : i32
      %sub3A_330 = arith.constant 6 : i32
      %sub3A_331 = arith.subi %add3A_329, %sub3A_330 : i32
      %mul3A_332 = arith.constant 16 : i32
      %mul3A_333 = arith.muli %sub3A_331, %mul3A_332 : i32
      %add3A_334 = arith.addi %mul3A_2, %mul3A_333 : i32
      %dma_wait3A_335 = arith.constant 0 : i32
      %dma_wait3A_336 = tpu.memref_slice %arg4[%add3A_334, %dma_wait3A_335] : memref<32768x1024xf32, #tpu.memory_space<hbm>> -> memref<16x1024xf32, #tpu.memory_space<hbm>>
      %dma_wait3A_337 = arith.constant 0 : i32
      %dma_wait3A_338 = tpu.memref_slice %arg4[%add3A_334, %dma_wait3A_337] : memref<32768x1024xf32, #tpu.memory_space<hbm>> -> memref<16x1024xf32, #tpu.memory_space<hbm>>
      tpu.wait_dma2 semaphore(%arg21 : memref<!tpu.dma_semaphore, #tpu.memory_space<semaphore_mem>>) src(%arg9 : memref<16x1024xf32, #tpu.memory_space<vmem>>) dst(%dma_wait3A_338 : memref<16x1024xf32, #tpu.memory_space<hbm>>)
      %add3A_339 = arith.constant 3 : i32
      %add3A_340 = arith.addi %mul3A_271, %add3A_339 : i32
      %dma_start3A_341 = arith.constant 0 : i32
      %dma_start3A_342 = tpu.memref_slice %arg5[%add3A_340, %dma_start3A_341] : memref<64x16xi32, #tpu.memory_space<vmem>> -> memref<1x16xi32, #tpu.memory_space<vmem>>
      %dma_start3A_343 = tpu.memref_squeeze %dma_start3A_342 : memref<1x16xi32, #tpu.memory_space<vmem>> -> memref<16xi32, #tpu.memory_space<vmem>>
      %dma_start3A_344 = arith.constant 0 : i32
      %dma_start3A_345 = arith.constant 0 : i32
      %dma_start3A_346 = tpu.memref_slice %arg3[%dma_start3A_344, %dma_start3A_345] : memref<100000x1024xf32, #tpu.memory_space<hbm>> -> memref<100000x1024xf32, #tpu.memory_space<hbm>>
      tpu.enqueue_indirect_dma source(%dma_start3A_346 : memref<100000x1024xf32, #tpu.memory_space<hbm>>) target(%arg9 : memref<16x1024xf32, #tpu.memory_space<vmem>>) offsets(%dma_start3A_343 : memref<16xi32, #tpu.memory_space<vmem>>) semaphore(%arg15 : memref<!tpu.dma_semaphore, #tpu.memory_space<semaphore_mem>>)
      %add3A_347 = arith.constant 4 : i32
      %add3A_348 = arith.addi %mul3A_271, %add3A_347 : i32
      %sub3A_349 = arith.constant 6 : i32
      %sub3A_350 = arith.subi %add3A_348, %sub3A_349 : i32
      %mul3A_351 = arith.constant 16 : i32
      %mul3A_352 = arith.muli %sub3A_350, %mul3A_351 : i32
      %add3A_353 = arith.addi %mul3A_2, %mul3A_352 : i32
      %dma_wait3A_354 = arith.constant 0 : i32
      %dma_wait3A_355 = tpu.memref_slice %arg4[%add3A_353, %dma_wait3A_354] : memref<32768x1024xf32, #tpu.memory_space<hbm>> -> memref<16x1024xf32, #tpu.memory_space<hbm>>
      %dma_wait3A_356 = arith.constant 0 : i32
      %dma_wait3A_357 = tpu.memref_slice %arg4[%add3A_353, %dma_wait3A_356] : memref<32768x1024xf32, #tpu.memory_space<hbm>> -> memref<16x1024xf32, #tpu.memory_space<hbm>>
      tpu.wait_dma2 semaphore(%arg22 : memref<!tpu.dma_semaphore, #tpu.memory_space<semaphore_mem>>) src(%arg10 : memref<16x1024xf32, #tpu.memory_space<vmem>>) dst(%dma_wait3A_357 : memref<16x1024xf32, #tpu.memory_space<hbm>>)
      %add3A_358 = arith.constant 4 : i32
      %add3A_359 = arith.addi %mul3A_271, %add3A_358 : i32
      %dma_start3A_360 = arith.constant 0 : i32
      %dma_start3A_361 = tpu.memref_slice %arg5[%add3A_359, %dma_start3A_360] : memref<64x16xi32, #tpu.memory_space<vmem>> -> memref<1x16xi32, #tpu.memory_space<vmem>>
      %dma_start3A_362 = tpu.memref_squeeze %dma_start3A_361 : memref<1x16xi32, #tpu.memory_space<vmem>> -> memref<16xi32, #tpu.memory_space<vmem>>
      %dma_start3A_363 = arith.constant 0 : i32
      %dma_start3A_364 = arith.constant 0 : i32
      %dma_start3A_365 = tpu.memref_slice %arg3[%dma_start3A_363, %dma_start3A_364] : memref<100000x1024xf32, #tpu.memory_space<hbm>> -> memref<100000x1024xf32, #tpu.memory_space<hbm>>
      tpu.enqueue_indirect_dma source(%dma_start3A_365 : memref<100000x1024xf32, #tpu.memory_space<hbm>>) target(%arg10 : memref<16x1024xf32, #tpu.memory_space<vmem>>) offsets(%dma_start3A_362 : memref<16xi32, #tpu.memory_space<vmem>>) semaphore(%arg16 : memref<!tpu.dma_semaphore, #tpu.memory_space<semaphore_mem>>)
      %add3A_366 = arith.constant 5 : i32
      %add3A_367 = arith.addi %mul3A_271, %add3A_366 : i32
      %sub3A_368 = arith.constant 6 : i32
      %sub3A_369 = arith.subi %add3A_367, %sub3A_368 : i32
      %mul3A_370 = arith.constant 16 : i32
      %mul3A_371 = arith.muli %sub3A_369, %mul3A_370 : i32
      %add3A_372 = arith.addi %mul3A_2, %mul3A_371 : i32
      %dma_wait3A_373 = arith.constant 0 : i32
      %dma_wait3A_374 = tpu.memref_slice %arg4[%add3A_372, %dma_wait3A_373] : memref<32768x1024xf32, #tpu.memory_space<hbm>> -> memref<16x1024xf32, #tpu.memory_space<hbm>>
      %dma_wait3A_375 = arith.constant 0 : i32
      %dma_wait3A_376 = tpu.memref_slice %arg4[%add3A_372, %dma_wait3A_375] : memref<32768x1024xf32, #tpu.memory_space<hbm>> -> memref<16x1024xf32, #tpu.memory_space<hbm>>
      tpu.wait_dma2 semaphore(%arg23 : memref<!tpu.dma_semaphore, #tpu.memory_space<semaphore_mem>>) src(%arg11 : memref<16x1024xf32, #tpu.memory_space<vmem>>) dst(%dma_wait3A_376 : memref<16x1024xf32, #tpu.memory_space<hbm>>)
      %add3A_377 = arith.constant 5 : i32
      %add3A_378 = arith.addi %mul3A_271, %add3A_377 : i32
      %dma_start3A_379 = arith.constant 0 : i32
      %dma_start3A_380 = tpu.memref_slice %arg5[%add3A_378, %dma_start3A_379] : memref<64x16xi32, #tpu.memory_space<vmem>> -> memref<1x16xi32, #tpu.memory_space<vmem>>
      %dma_start3A_381 = tpu.memref_squeeze %dma_start3A_380 : memref<1x16xi32, #tpu.memory_space<vmem>> -> memref<16xi32, #tpu.memory_space<vmem>>
      %dma_start3A_382 = arith.constant 0 : i32
      %dma_start3A_383 = arith.constant 0 : i32
      %dma_start3A_384 = tpu.memref_slice %arg3[%dma_start3A_382, %dma_start3A_383] : memref<100000x1024xf32, #tpu.memory_space<hbm>> -> memref<100000x1024xf32, #tpu.memory_space<hbm>>
      tpu.enqueue_indirect_dma source(%dma_start3A_384 : memref<100000x1024xf32, #tpu.memory_space<hbm>>) target(%arg11 : memref<16x1024xf32, #tpu.memory_space<vmem>>) offsets(%dma_start3A_381 : memref<16xi32, #tpu.memory_space<vmem>>) semaphore(%arg17 : memref<!tpu.dma_semaphore, #tpu.memory_space<semaphore_mem>>)
      %add3A_385 = arith.constant 0 : i32
      %add3A_386 = arith.addi %mul3A_271, %add3A_385 : i32
      %dma_wait3A_387 = arith.constant 0 : i32
      %dma_wait3A_388 = tpu.memref_slice %arg5[%add3A_386, %dma_wait3A_387] : memref<64x16xi32, #tpu.memory_space<vmem>> -> memref<1x16xi32, #tpu.memory_space<vmem>>
      %dma_wait3A_389 = tpu.memref_squeeze %dma_wait3A_388 : memref<1x16xi32, #tpu.memory_space<vmem>> -> memref<16xi32, #tpu.memory_space<vmem>>
      %dma_wait3A_390 = arith.constant 0 : i32
      %dma_wait3A_391 = arith.constant 0 : i32
      %dma_wait3A_392 = tpu.memref_slice %arg3[%dma_wait3A_390, %dma_wait3A_391] : memref<100000x1024xf32, #tpu.memory_space<hbm>> -> memref<100000x1024xf32, #tpu.memory_space<hbm>>
      tpu.wait_indirect_dma semaphore(%arg12 : memref<!tpu.dma_semaphore, #tpu.memory_space<semaphore_mem>>) src(%dma_wait3A_392 : memref<100000x1024xf32, #tpu.memory_space<hbm>>) dst(%arg6 : memref<16x1024xf32, #tpu.memory_space<vmem>>)
      %add3A_393 = arith.constant 0 : i32
      %add3A_394 = arith.addi %mul3A_271, %add3A_393 : i32
      %mul3A_395 = arith.constant 16 : i32
      %mul3A_396 = arith.muli %add3A_394, %mul3A_395 : i32
      %add3A_397 = arith.addi %mul3A_2, %mul3A_396 : i32
      %dma_start3A_398 = arith.constant 0 : i32
      %dma_start3A_399 = tpu.memref_slice %arg4[%add3A_397, %dma_start3A_398] : memref<32768x1024xf32, #tpu.memory_space<hbm>> -> memref<16x1024xf32, #tpu.memory_space<hbm>>
      %dma_start3A_400 = arith.constant 0 : i32
      %dma_start3A_401 = tpu.memref_slice %arg4[%add3A_397, %dma_start3A_400] : memref<32768x1024xf32, #tpu.memory_space<hbm>> -> memref<16x1024xf32, #tpu.memory_space<hbm>>
      tpu.enqueue_dma source(%arg6 : memref<16x1024xf32, #tpu.memory_space<vmem>>) target(%dma_start3A_401 : memref<16x1024xf32, #tpu.memory_space<hbm>>) target_semaphore(%arg18 : memref<!tpu.dma_semaphore, #tpu.memory_space<semaphore_mem>>)
      %add3A_402 = arith.constant 1 : i32
      %add3A_403 = arith.addi %mul3A_271, %add3A_402 : i32
      %dma_wait3A_404 = arith.constant 0 : i32
      %dma_wait3A_405 = tpu.memref_slice %arg5[%add3A_403, %dma_wait3A_404] : memref<64x16xi32, #tpu.memory_space<vmem>> -> memref<1x16xi32, #tpu.memory_space<vmem>>
      %dma_wait3A_406 = tpu.memref_squeeze %dma_wait3A_405 : memref<1x16xi32, #tpu.memory_space<vmem>> -> memref<16xi32, #tpu.memory_space<vmem>>
      %dma_wait3A_407 = arith.constant 0 : i32
      %dma_wait3A_408 = arith.constant 0 : i32
      %dma_wait3A_409 = tpu.memref_slice %arg3[%dma_wait3A_407, %dma_wait3A_408] : memref<100000x1024xf32, #tpu.memory_space<hbm>> -> memref<100000x1024xf32, #tpu.memory_space<hbm>>
      tpu.wait_indirect_dma semaphore(%arg13 : memref<!tpu.dma_semaphore, #tpu.memory_space<semaphore_mem>>) src(%dma_wait3A_409 : memref<100000x1024xf32, #tpu.memory_space<hbm>>) dst(%arg7 : memref<16x1024xf32, #tpu.memory_space<vmem>>)
      %add3A_410 = arith.constant 1 : i32
      %add3A_411 = arith.addi %mul3A_271, %add3A_410 : i32
      %mul3A_412 = arith.constant 16 : i32
      %mul3A_413 = arith.muli %add3A_411, %mul3A_412 : i32
      %add3A_414 = arith.addi %mul3A_2, %mul3A_413 : i32
      %dma_start3A_415 = arith.constant 0 : i32
      %dma_start3A_416 = tpu.memref_slice %arg4[%add3A_414, %dma_start3A_415] : memref<32768x1024xf32, #tpu.memory_space<hbm>> -> memref<16x1024xf32, #tpu.memory_space<hbm>>
      %dma_start3A_417 = arith.constant 0 : i32
      %dma_start3A_418 = tpu.memref_slice %arg4[%add3A_414, %dma_start3A_417] : memref<32768x1024xf32, #tpu.memory_space<hbm>> -> memref<16x1024xf32, #tpu.memory_space<hbm>>
      tpu.enqueue_dma source(%arg7 : memref<16x1024xf32, #tpu.memory_space<vmem>>) target(%dma_start3A_418 : memref<16x1024xf32, #tpu.memory_space<hbm>>) target_semaphore(%arg19 : memref<!tpu.dma_semaphore, #tpu.memory_space<semaphore_mem>>)
      %add3A_419 = arith.constant 2 : i32
      %add3A_420 = arith.addi %mul3A_271, %add3A_419 : i32
      %dma_wait3A_421 = arith.constant 0 : i32
      %dma_wait3A_422 = tpu.memref_slice %arg5[%add3A_420, %dma_wait3A_421] : memref<64x16xi32, #tpu.memory_space<vmem>> -> memref<1x16xi32, #tpu.memory_space<vmem>>
      %dma_wait3A_423 = tpu.memref_squeeze %dma_wait3A_422 : memref<1x16xi32, #tpu.memory_space<vmem>> -> memref<16xi32, #tpu.memory_space<vmem>>
      %dma_wait3A_424 = arith.constant 0 : i32
      %dma_wait3A_425 = arith.constant 0 : i32
      %dma_wait3A_426 = tpu.memref_slice %arg3[%dma_wait3A_424, %dma_wait3A_425] : memref<100000x1024xf32, #tpu.memory_space<hbm>> -> memref<100000x1024xf32, #tpu.memory_space<hbm>>
      tpu.wait_indirect_dma semaphore(%arg14 : memref<!tpu.dma_semaphore, #tpu.memory_space<semaphore_mem>>) src(%dma_wait3A_426 : memref<100000x1024xf32, #tpu.memory_space<hbm>>) dst(%arg8 : memref<16x1024xf32, #tpu.memory_space<vmem>>)
      %add3A_427 = arith.constant 2 : i32
      %add3A_428 = arith.addi %mul3A_271, %add3A_427 : i32
      %mul3A_429 = arith.constant 16 : i32
      %mul3A_430 = arith.muli %add3A_428, %mul3A_429 : i32
      %add3A_431 = arith.addi %mul3A_2, %mul3A_430 : i32
      %dma_start3A_432 = arith.constant 0 : i32
      %dma_start3A_433 = tpu.memref_slice %arg4[%add3A_431, %dma_start3A_432] : memref<32768x1024xf32, #tpu.memory_space<hbm>> -> memref<16x1024xf32, #tpu.memory_space<hbm>>
      %dma_start3A_434 = arith.constant 0 : i32
      %dma_start3A_435 = tpu.memref_slice %arg4[%add3A_431, %dma_start3A_434] : memref<32768x1024xf32, #tpu.memory_space<hbm>> -> memref<16x1024xf32, #tpu.memory_space<hbm>>
      tpu.enqueue_dma source(%arg8 : memref<16x1024xf32, #tpu.memory_space<vmem>>) target(%dma_start3A_435 : memref<16x1024xf32, #tpu.memory_space<hbm>>) target_semaphore(%arg20 : memref<!tpu.dma_semaphore, #tpu.memory_space<semaphore_mem>>)
      %add3A_436 = arith.constant 3 : i32
      %add3A_437 = arith.addi %mul3A_271, %add3A_436 : i32
      %dma_wait3A_438 = arith.constant 0 : i32
      %dma_wait3A_439 = tpu.memref_slice %arg5[%add3A_437, %dma_wait3A_438] : memref<64x16xi32, #tpu.memory_space<vmem>> -> memref<1x16xi32, #tpu.memory_space<vmem>>
      %dma_wait3A_440 = tpu.memref_squeeze %dma_wait3A_439 : memref<1x16xi32, #tpu.memory_space<vmem>> -> memref<16xi32, #tpu.memory_space<vmem>>
      %dma_wait3A_441 = arith.constant 0 : i32
      %dma_wait3A_442 = arith.constant 0 : i32
      %dma_wait3A_443 = tpu.memref_slice %arg3[%dma_wait3A_441, %dma_wait3A_442] : memref<100000x1024xf32, #tpu.memory_space<hbm>> -> memref<100000x1024xf32, #tpu.memory_space<hbm>>
      tpu.wait_indirect_dma semaphore(%arg15 : memref<!tpu.dma_semaphore, #tpu.memory_space<semaphore_mem>>) src(%dma_wait3A_443 : memref<100000x1024xf32, #tpu.memory_space<hbm>>) dst(%arg9 : memref<16x1024xf32, #tpu.memory_space<vmem>>)
      %add3A_444 = arith.constant 3 : i32
      %add3A_445 = arith.addi %mul3A_271, %add3A_444 : i32
      %mul3A_446 = arith.constant 16 : i32
      %mul3A_447 = arith.muli %add3A_445, %mul3A_446 : i32
      %add3A_448 = arith.addi %mul3A_2, %mul3A_447 : i32
      %dma_start3A_449 = arith.constant 0 : i32
      %dma_start3A_450 = tpu.memref_slice %arg4[%add3A_448, %dma_start3A_449] : memref<32768x1024xf32, #tpu.memory_space<hbm>> -> memref<16x1024xf32, #tpu.memory_space<hbm>>
      %dma_start3A_451 = arith.constant 0 : i32
      %dma_start3A_452 = tpu.memref_slice %arg4[%add3A_448, %dma_start3A_451] : memref<32768x1024xf32, #tpu.memory_space<hbm>> -> memref<16x1024xf32, #tpu.memory_space<hbm>>
      tpu.enqueue_dma source(%arg9 : memref<16x1024xf32, #tpu.memory_space<vmem>>) target(%dma_start3A_452 : memref<16x1024xf32, #tpu.memory_space<hbm>>) target_semaphore(%arg21 : memref<!tpu.dma_semaphore, #tpu.memory_space<semaphore_mem>>)
      %add3A_453 = arith.constant 4 : i32
      %add3A_454 = arith.addi %mul3A_271, %add3A_453 : i32
      %dma_wait3A_455 = arith.constant 0 : i32
      %dma_wait3A_456 = tpu.memref_slice %arg5[%add3A_454, %dma_wait3A_455] : memref<64x16xi32, #tpu.memory_space<vmem>> -> memref<1x16xi32, #tpu.memory_space<vmem>>
      %dma_wait3A_457 = tpu.memref_squeeze %dma_wait3A_456 : memref<1x16xi32, #tpu.memory_space<vmem>> -> memref<16xi32, #tpu.memory_space<vmem>>
      %dma_wait3A_458 = arith.constant 0 : i32
      %dma_wait3A_459 = arith.constant 0 : i32
      %dma_wait3A_460 = tpu.memref_slice %arg3[%dma_wait3A_458, %dma_wait3A_459] : memref<100000x1024xf32, #tpu.memory_space<hbm>> -> memref<100000x1024xf32, #tpu.memory_space<hbm>>
      tpu.wait_indirect_dma semaphore(%arg16 : memref<!tpu.dma_semaphore, #tpu.memory_space<semaphore_mem>>) src(%dma_wait3A_460 : memref<100000x1024xf32, #tpu.memory_space<hbm>>) dst(%arg10 : memref<16x1024xf32, #tpu.memory_space<vmem>>)
      %add3A_461 = arith.constant 4 : i32
      %add3A_462 = arith.addi %mul3A_271, %add3A_461 : i32
      %mul3A_463 = arith.constant 16 : i32
      %mul3A_464 = arith.muli %add3A_462, %mul3A_463 : i32
      %add3A_465 = arith.addi %mul3A_2, %mul3A_464 : i32
      %dma_start3A_466 = arith.constant 0 : i32
      %dma_start3A_467 = tpu.memref_slice %arg4[%add3A_465, %dma_start3A_466] : memref<32768x1024xf32, #tpu.memory_space<hbm>> -> memref<16x1024xf32, #tpu.memory_space<hbm>>
      %dma_start3A_468 = arith.constant 0 : i32
      %dma_start3A_469 = tpu.memref_slice %arg4[%add3A_465, %dma_start3A_468] : memref<32768x1024xf32, #tpu.memory_space<hbm>> -> memref<16x1024xf32, #tpu.memory_space<hbm>>
      tpu.enqueue_dma source(%arg10 : memref<16x1024xf32, #tpu.memory_space<vmem>>) target(%dma_start3A_469 : memref<16x1024xf32, #tpu.memory_space<hbm>>) target_semaphore(%arg22 : memref<!tpu.dma_semaphore, #tpu.memory_space<semaphore_mem>>)
      %add3A_470 = arith.constant 5 : i32
      %add3A_471 = arith.addi %mul3A_271, %add3A_470 : i32
      %dma_wait3A_472 = arith.constant 0 : i32
      %dma_wait3A_473 = tpu.memref_slice %arg5[%add3A_471, %dma_wait3A_472] : memref<64x16xi32, #tpu.memory_space<vmem>> -> memref<1x16xi32, #tpu.memory_space<vmem>>
      %dma_wait3A_474 = tpu.memref_squeeze %dma_wait3A_473 : memref<1x16xi32, #tpu.memory_space<vmem>> -> memref<16xi32, #tpu.memory_space<vmem>>
      %dma_wait3A_475 = arith.constant 0 : i32
      %dma_wait3A_476 = arith.constant 0 : i32
      %dma_wait3A_477 = tpu.memref_slice %arg3[%dma_wait3A_475, %dma_wait3A_476] : memref<100000x1024xf32, #tpu.memory_space<hbm>> -> memref<100000x1024xf32, #tpu.memory_space<hbm>>
      tpu.wait_indirect_dma semaphore(%arg17 : memref<!tpu.dma_semaphore, #tpu.memory_space<semaphore_mem>>) src(%dma_wait3A_477 : memref<100000x1024xf32, #tpu.memory_space<hbm>>) dst(%arg11 : memref<16x1024xf32, #tpu.memory_space<vmem>>)
      %add3A_478 = arith.constant 5 : i32
      %add3A_479 = arith.addi %mul3A_271, %add3A_478 : i32
      %mul3A_480 = arith.constant 16 : i32
      %mul3A_481 = arith.muli %add3A_479, %mul3A_480 : i32
      %add3A_482 = arith.addi %mul3A_2, %mul3A_481 : i32
      %dma_start3A_483 = arith.constant 0 : i32
      %dma_start3A_484 = tpu.memref_slice %arg4[%add3A_482, %dma_start3A_483] : memref<32768x1024xf32, #tpu.memory_space<hbm>> -> memref<16x1024xf32, #tpu.memory_space<hbm>>
      %dma_start3A_485 = arith.constant 0 : i32
      %dma_start3A_486 = tpu.memref_slice %arg4[%add3A_482, %dma_start3A_485] : memref<32768x1024xf32, #tpu.memory_space<hbm>> -> memref<16x1024xf32, #tpu.memory_space<hbm>>
      tpu.enqueue_dma source(%arg11 : memref<16x1024xf32, #tpu.memory_space<vmem>>) target(%dma_start3A_486 : memref<16x1024xf32, #tpu.memory_space<hbm>>) target_semaphore(%arg23 : memref<!tpu.dma_semaphore, #tpu.memory_space<semaphore_mem>>)
    }
    %scan3A_124 = arith.constant 9 : i32
    %add3A_125 = arith.constant 864 : i32
    %add3A_126 = arith.addi %mul3A_2, %add3A_125 : i32
    %dma_wait3A_127 = arith.constant 0 : i32
    %dma_wait3A_128 = tpu.memref_slice %arg4[%add3A_126, %dma_wait3A_127] : memref<32768x1024xf32, #tpu.memory_space<hbm>> -> memref<16x1024xf32, #tpu.memory_space<hbm>>
    %dma_wait3A_129 = arith.constant 0 : i32
    %dma_wait3A_130 = tpu.memref_slice %arg4[%add3A_126, %dma_wait3A_129] : memref<32768x1024xf32, #tpu.memory_space<hbm>> -> memref<16x1024xf32, #tpu.memory_space<hbm>>
    tpu.wait_dma2 semaphore(%arg18 : memref<!tpu.dma_semaphore, #tpu.memory_space<semaphore_mem>>) src(%arg6 : memref<16x1024xf32, #tpu.memory_space<vmem>>) dst(%dma_wait3A_130 : memref<16x1024xf32, #tpu.memory_space<hbm>>)
    %dma_start3A_131 = arith.constant 60 : i32
    %dma_start3A_132 = arith.constant 0 : i32
    %dma_start3A_133 = tpu.memref_slice %arg5[%dma_start3A_131, %dma_start3A_132] : memref<64x16xi32, #tpu.memory_space<vmem>> -> memref<1x16xi32, #tpu.memory_space<vmem>>
    %dma_start3A_134 = tpu.memref_squeeze %dma_start3A_133 : memref<1x16xi32, #tpu.memory_space<vmem>> -> memref<16xi32, #tpu.memory_space<vmem>>
    %dma_start3A_135 = arith.constant 0 : i32
    %dma_start3A_136 = arith.constant 0 : i32
    %dma_start3A_137 = tpu.memref_slice %arg3[%dma_start3A_135, %dma_start3A_136] : memref<100000x1024xf32, #tpu.memory_space<hbm>> -> memref<100000x1024xf32, #tpu.memory_space<hbm>>
    tpu.enqueue_indirect_dma source(%dma_start3A_137 : memref<100000x1024xf32, #tpu.memory_space<hbm>>) target(%arg6 : memref<16x1024xf32, #tpu.memory_space<vmem>>) offsets(%dma_start3A_134 : memref<16xi32, #tpu.memory_space<vmem>>) semaphore(%arg12 : memref<!tpu.dma_semaphore, #tpu.memory_space<semaphore_mem>>)
    %add3A_138 = arith.constant 880 : i32
    %add3A_139 = arith.addi %mul3A_2, %add3A_138 : i32
    %dma_wait3A_140 = arith.constant 0 : i32
    %dma_wait3A_141 = tpu.memref_slice %arg4[%add3A_139, %dma_wait3A_140] : memref<32768x1024xf32, #tpu.memory_space<hbm>> -> memref<16x1024xf32, #tpu.memory_space<hbm>>
    %dma_wait3A_142 = arith.constant 0 : i32
    %dma_wait3A_143 = tpu.memref_slice %arg4[%add3A_139, %dma_wait3A_142] : memref<32768x1024xf32, #tpu.memory_space<hbm>> -> memref<16x1024xf32, #tpu.memory_space<hbm>>
    tpu.wait_dma2 semaphore(%arg19 : memref<!tpu.dma_semaphore, #tpu.memory_space<semaphore_mem>>) src(%arg7 : memref<16x1024xf32, #tpu.memory_space<vmem>>) dst(%dma_wait3A_143 : memref<16x1024xf32, #tpu.memory_space<hbm>>)
    %dma_start3A_144 = arith.constant 61 : i32
    %dma_start3A_145 = arith.constant 0 : i32
    %dma_start3A_146 = tpu.memref_slice %arg5[%dma_start3A_144, %dma_start3A_145] : memref<64x16xi32, #tpu.memory_space<vmem>> -> memref<1x16xi32, #tpu.memory_space<vmem>>
    %dma_start3A_147 = tpu.memref_squeeze %dma_start3A_146 : memref<1x16xi32, #tpu.memory_space<vmem>> -> memref<16xi32, #tpu.memory_space<vmem>>
    %dma_start3A_148 = arith.constant 0 : i32
    %dma_start3A_149 = arith.constant 0 : i32
    %dma_start3A_150 = tpu.memref_slice %arg3[%dma_start3A_148, %dma_start3A_149] : memref<100000x1024xf32, #tpu.memory_space<hbm>> -> memref<100000x1024xf32, #tpu.memory_space<hbm>>
    tpu.enqueue_indirect_dma source(%dma_start3A_150 : memref<100000x1024xf32, #tpu.memory_space<hbm>>) target(%arg7 : memref<16x1024xf32, #tpu.memory_space<vmem>>) offsets(%dma_start3A_147 : memref<16xi32, #tpu.memory_space<vmem>>) semaphore(%arg13 : memref<!tpu.dma_semaphore, #tpu.memory_space<semaphore_mem>>)
    %add3A_151 = arith.constant 896 : i32
    %add3A_152 = arith.addi %mul3A_2, %add3A_151 : i32
    %dma_wait3A_153 = arith.constant 0 : i32
    %dma_wait3A_154 = tpu.memref_slice %arg4[%add3A_152, %dma_wait3A_153] : memref<32768x1024xf32, #tpu.memory_space<hbm>> -> memref<16x1024xf32, #tpu.memory_space<hbm>>
    %dma_wait3A_155 = arith.constant 0 : i32
    %dma_wait3A_156 = tpu.memref_slice %arg4[%add3A_152, %dma_wait3A_155] : memref<32768x1024xf32, #tpu.memory_space<hbm>> -> memref<16x1024xf32, #tpu.memory_space<hbm>>
    tpu.wait_dma2 semaphore(%arg20 : memref<!tpu.dma_semaphore, #tpu.memory_space<semaphore_mem>>) src(%arg8 : memref<16x1024xf32, #tpu.memory_space<vmem>>) dst(%dma_wait3A_156 : memref<16x1024xf32, #tpu.memory_space<hbm>>)
    %dma_start3A_157 = arith.constant 62 : i32
    %dma_start3A_158 = arith.constant 0 : i32
    %dma_start3A_159 = tpu.memref_slice %arg5[%dma_start3A_157, %dma_start3A_158] : memref<64x16xi32, #tpu.memory_space<vmem>> -> memref<1x16xi32, #tpu.memory_space<vmem>>
    %dma_start3A_160 = tpu.memref_squeeze %dma_start3A_159 : memref<1x16xi32, #tpu.memory_space<vmem>> -> memref<16xi32, #tpu.memory_space<vmem>>
    %dma_start3A_161 = arith.constant 0 : i32
    %dma_start3A_162 = arith.constant 0 : i32
    %dma_start3A_163 = tpu.memref_slice %arg3[%dma_start3A_161, %dma_start3A_162] : memref<100000x1024xf32, #tpu.memory_space<hbm>> -> memref<100000x1024xf32, #tpu.memory_space<hbm>>
    tpu.enqueue_indirect_dma source(%dma_start3A_163 : memref<100000x1024xf32, #tpu.memory_space<hbm>>) target(%arg8 : memref<16x1024xf32, #tpu.memory_space<vmem>>) offsets(%dma_start3A_160 : memref<16xi32, #tpu.memory_space<vmem>>) semaphore(%arg14 : memref<!tpu.dma_semaphore, #tpu.memory_space<semaphore_mem>>)
    %add3A_164 = arith.constant 912 : i32
    %add3A_165 = arith.addi %mul3A_2, %add3A_164 : i32
    %dma_wait3A_166 = arith.constant 0 : i32
    %dma_wait3A_167 = tpu.memref_slice %arg4[%add3A_165, %dma_wait3A_166] : memref<32768x1024xf32, #tpu.memory_space<hbm>> -> memref<16x1024xf32, #tpu.memory_space<hbm>>
    %dma_wait3A_168 = arith.constant 0 : i32
    %dma_wait3A_169 = tpu.memref_slice %arg4[%add3A_165, %dma_wait3A_168] : memref<32768x1024xf32, #tpu.memory_space<hbm>> -> memref<16x1024xf32, #tpu.memory_space<hbm>>
    tpu.wait_dma2 semaphore(%arg21 : memref<!tpu.dma_semaphore, #tpu.memory_space<semaphore_mem>>) src(%arg9 : memref<16x1024xf32, #tpu.memory_space<vmem>>) dst(%dma_wait3A_169 : memref<16x1024xf32, #tpu.memory_space<hbm>>)
    %dma_start3A_170 = arith.constant 63 : i32
    %dma_start3A_171 = arith.constant 0 : i32
    %dma_start3A_172 = tpu.memref_slice %arg5[%dma_start3A_170, %dma_start3A_171] : memref<64x16xi32, #tpu.memory_space<vmem>> -> memref<1x16xi32, #tpu.memory_space<vmem>>
    %dma_start3A_173 = tpu.memref_squeeze %dma_start3A_172 : memref<1x16xi32, #tpu.memory_space<vmem>> -> memref<16xi32, #tpu.memory_space<vmem>>
    %dma_start3A_174 = arith.constant 0 : i32
    %dma_start3A_175 = arith.constant 0 : i32
    %dma_start3A_176 = tpu.memref_slice %arg3[%dma_start3A_174, %dma_start3A_175] : memref<100000x1024xf32, #tpu.memory_space<hbm>> -> memref<100000x1024xf32, #tpu.memory_space<hbm>>
    tpu.enqueue_indirect_dma source(%dma_start3A_176 : memref<100000x1024xf32, #tpu.memory_space<hbm>>) target(%arg9 : memref<16x1024xf32, #tpu.memory_space<vmem>>) offsets(%dma_start3A_173 : memref<16xi32, #tpu.memory_space<vmem>>) semaphore(%arg15 : memref<!tpu.dma_semaphore, #tpu.memory_space<semaphore_mem>>)
    %dma_wait3A_177 = arith.constant 60 : i32
    %dma_wait3A_178 = arith.constant 0 : i32
    %dma_wait3A_179 = tpu.memref_slice %arg5[%dma_wait3A_177, %dma_wait3A_178] : memref<64x16xi32, #tpu.memory_space<vmem>> -> memref<1x16xi32, #tpu.memory_space<vmem>>
    %dma_wait3A_180 = tpu.memref_squeeze %dma_wait3A_179 : memref<1x16xi32, #tpu.memory_space<vmem>> -> memref<16xi32, #tpu.memory_space<vmem>>
    %dma_wait3A_181 = arith.constant 0 : i32
    %dma_wait3A_182 = arith.constant 0 : i32
    %dma_wait3A_183 = tpu.memref_slice %arg3[%dma_wait3A_181, %dma_wait3A_182] : memref<100000x1024xf32, #tpu.memory_space<hbm>> -> memref<100000x1024xf32, #tpu.memory_space<hbm>>
    tpu.wait_indirect_dma semaphore(%arg12 : memref<!tpu.dma_semaphore, #tpu.memory_space<semaphore_mem>>) src(%dma_wait3A_183 : memref<100000x1024xf32, #tpu.memory_space<hbm>>) dst(%arg6 : memref<16x1024xf32, #tpu.memory_space<vmem>>)
    %add3A_184 = arith.constant 960 : i32
    %add3A_185 = arith.addi %mul3A_2, %add3A_184 : i32
    %dma_start3A_186 = arith.constant 0 : i32
    %dma_start3A_187 = tpu.memref_slice %arg4[%add3A_185, %dma_start3A_186] : memref<32768x1024xf32, #tpu.memory_space<hbm>> -> memref<16x1024xf32, #tpu.memory_space<hbm>>
    %dma_start3A_188 = arith.constant 0 : i32
    %dma_start3A_189 = tpu.memref_slice %arg4[%add3A_185, %dma_start3A_188] : memref<32768x1024xf32, #tpu.memory_space<hbm>> -> memref<16x1024xf32, #tpu.memory_space<hbm>>
    tpu.enqueue_dma source(%arg6 : memref<16x1024xf32, #tpu.memory_space<vmem>>) target(%dma_start3A_189 : memref<16x1024xf32, #tpu.memory_space<hbm>>) target_semaphore(%arg18 : memref<!tpu.dma_semaphore, #tpu.memory_space<semaphore_mem>>)
    %dma_wait3A_190 = arith.constant 61 : i32
    %dma_wait3A_191 = arith.constant 0 : i32
    %dma_wait3A_192 = tpu.memref_slice %arg5[%dma_wait3A_190, %dma_wait3A_191] : memref<64x16xi32, #tpu.memory_space<vmem>> -> memref<1x16xi32, #tpu.memory_space<vmem>>
    %dma_wait3A_193 = tpu.memref_squeeze %dma_wait3A_192 : memref<1x16xi32, #tpu.memory_space<vmem>> -> memref<16xi32, #tpu.memory_space<vmem>>
    %dma_wait3A_194 = arith.constant 0 : i32
    %dma_wait3A_195 = arith.constant 0 : i32
    %dma_wait3A_196 = tpu.memref_slice %arg3[%dma_wait3A_194, %dma_wait3A_195] : memref<100000x1024xf32, #tpu.memory_space<hbm>> -> memref<100000x1024xf32, #tpu.memory_space<hbm>>
    tpu.wait_indirect_dma semaphore(%arg13 : memref<!tpu.dma_semaphore, #tpu.memory_space<semaphore_mem>>) src(%dma_wait3A_196 : memref<100000x1024xf32, #tpu.memory_space<hbm>>) dst(%arg7 : memref<16x1024xf32, #tpu.memory_space<vmem>>)
    %add3A_197 = arith.constant 976 : i32
    %add3A_198 = arith.addi %mul3A_2, %add3A_197 : i32
    %dma_start3A_199 = arith.constant 0 : i32
    %dma_start3A_200 = tpu.memref_slice %arg4[%add3A_198, %dma_start3A_199] : memref<32768x1024xf32, #tpu.memory_space<hbm>> -> memref<16x1024xf32, #tpu.memory_space<hbm>>
    %dma_start3A_201 = arith.constant 0 : i32
    %dma_start3A_202 = tpu.memref_slice %arg4[%add3A_198, %dma_start3A_201] : memref<32768x1024xf32, #tpu.memory_space<hbm>> -> memref<16x1024xf32, #tpu.memory_space<hbm>>
    tpu.enqueue_dma source(%arg7 : memref<16x1024xf32, #tpu.memory_space<vmem>>) target(%dma_start3A_202 : memref<16x1024xf32, #tpu.memory_space<hbm>>) target_semaphore(%arg19 : memref<!tpu.dma_semaphore, #tpu.memory_space<semaphore_mem>>)
    %dma_wait3A_203 = arith.constant 62 : i32
    %dma_wait3A_204 = arith.constant 0 : i32
    %dma_wait3A_205 = tpu.memref_slice %arg5[%dma_wait3A_203, %dma_wait3A_204] : memref<64x16xi32, #tpu.memory_space<vmem>> -> memref<1x16xi32, #tpu.memory_space<vmem>>
    %dma_wait3A_206 = tpu.memref_squeeze %dma_wait3A_205 : memref<1x16xi32, #tpu.memory_space<vmem>> -> memref<16xi32, #tpu.memory_space<vmem>>
    %dma_wait3A_207 = arith.constant 0 : i32
    %dma_wait3A_208 = arith.constant 0 : i32
    %dma_wait3A_209 = tpu.memref_slice %arg3[%dma_wait3A_207, %dma_wait3A_208] : memref<100000x1024xf32, #tpu.memory_space<hbm>> -> memref<100000x1024xf32, #tpu.memory_space<hbm>>
    tpu.wait_indirect_dma semaphore(%arg14 : memref<!tpu.dma_semaphore, #tpu.memory_space<semaphore_mem>>) src(%dma_wait3A_209 : memref<100000x1024xf32, #tpu.memory_space<hbm>>) dst(%arg8 : memref<16x1024xf32, #tpu.memory_space<vmem>>)
    %add3A_210 = arith.constant 992 : i32
    %add3A_211 = arith.addi %mul3A_2, %add3A_210 : i32
    %dma_start3A_212 = arith.constant 0 : i32
    %dma_start3A_213 = tpu.memref_slice %arg4[%add3A_211, %dma_start3A_212] : memref<32768x1024xf32, #tpu.memory_space<hbm>> -> memref<16x1024xf32, #tpu.memory_space<hbm>>
    %dma_start3A_214 = arith.constant 0 : i32
    %dma_start3A_215 = tpu.memref_slice %arg4[%add3A_211, %dma_start3A_214] : memref<32768x1024xf32, #tpu.memory_space<hbm>> -> memref<16x1024xf32, #tpu.memory_space<hbm>>
    tpu.enqueue_dma source(%arg8 : memref<16x1024xf32, #tpu.memory_space<vmem>>) target(%dma_start3A_215 : memref<16x1024xf32, #tpu.memory_space<hbm>>) target_semaphore(%arg20 : memref<!tpu.dma_semaphore, #tpu.memory_space<semaphore_mem>>)
    %dma_wait3A_216 = arith.constant 63 : i32
    %dma_wait3A_217 = arith.constant 0 : i32
    %dma_wait3A_218 = tpu.memref_slice %arg5[%dma_wait3A_216, %dma_wait3A_217] : memref<64x16xi32, #tpu.memory_space<vmem>> -> memref<1x16xi32, #tpu.memory_space<vmem>>
    %dma_wait3A_219 = tpu.memref_squeeze %dma_wait3A_218 : memref<1x16xi32, #tpu.memory_space<vmem>> -> memref<16xi32, #tpu.memory_space<vmem>>
    %dma_wait3A_220 = arith.constant 0 : i32
    %dma_wait3A_221 = arith.constant 0 : i32
    %dma_wait3A_222 = tpu.memref_slice %arg3[%dma_wait3A_220, %dma_wait3A_221] : memref<100000x1024xf32, #tpu.memory_space<hbm>> -> memref<100000x1024xf32, #tpu.memory_space<hbm>>
    tpu.wait_indirect_dma semaphore(%arg15 : memref<!tpu.dma_semaphore, #tpu.memory_space<semaphore_mem>>) src(%dma_wait3A_222 : memref<100000x1024xf32, #tpu.memory_space<hbm>>) dst(%arg9 : memref<16x1024xf32, #tpu.memory_space<vmem>>)
    %add3A_223 = arith.constant 1008 : i32
    %add3A_224 = arith.addi %mul3A_2, %add3A_223 : i32
    %dma_start3A_225 = arith.constant 0 : i32
    %dma_start3A_226 = tpu.memref_slice %arg4[%add3A_224, %dma_start3A_225] : memref<32768x1024xf32, #tpu.memory_space<hbm>> -> memref<16x1024xf32, #tpu.memory_space<hbm>>
    %dma_start3A_227 = arith.constant 0 : i32
    %dma_start3A_228 = tpu.memref_slice %arg4[%add3A_224, %dma_start3A_227] : memref<32768x1024xf32, #tpu.memory_space<hbm>> -> memref<16x1024xf32, #tpu.memory_space<hbm>>
    tpu.enqueue_dma source(%arg9 : memref<16x1024xf32, #tpu.memory_space<vmem>>) target(%dma_start3A_228 : memref<16x1024xf32, #tpu.memory_space<hbm>>) target_semaphore(%arg21 : memref<!tpu.dma_semaphore, #tpu.memory_space<semaphore_mem>>)
    %add3A_229 = arith.constant 928 : i32
    %add3A_230 = arith.addi %mul3A_2, %add3A_229 : i32
    %dma_wait3A_231 = arith.constant 0 : i32
    %dma_wait3A_232 = tpu.memref_slice %arg4[%add3A_230, %dma_wait3A_231] : memref<32768x1024xf32, #tpu.memory_space<hbm>> -> memref<16x1024xf32, #tpu.memory_space<hbm>>
    %dma_wait3A_233 = arith.constant 0 : i32
    %dma_wait3A_234 = tpu.memref_slice %arg4[%add3A_230, %dma_wait3A_233] : memref<32768x1024xf32, #tpu.memory_space<hbm>> -> memref<16x1024xf32, #tpu.memory_space<hbm>>
    tpu.wait_dma2 semaphore(%arg22 : memref<!tpu.dma_semaphore, #tpu.memory_space<semaphore_mem>>) src(%arg10 : memref<16x1024xf32, #tpu.memory_space<vmem>>) dst(%dma_wait3A_234 : memref<16x1024xf32, #tpu.memory_space<hbm>>)
    %add3A_235 = arith.constant 944 : i32
    %add3A_236 = arith.addi %mul3A_2, %add3A_235 : i32
    %dma_wait3A_237 = arith.constant 0 : i32
    %dma_wait3A_238 = tpu.memref_slice %arg4[%add3A_236, %dma_wait3A_237] : memref<32768x1024xf32, #tpu.memory_space<hbm>> -> memref<16x1024xf32, #tpu.memory_space<hbm>>
    %dma_wait3A_239 = arith.constant 0 : i32
    %dma_wait3A_240 = tpu.memref_slice %arg4[%add3A_236, %dma_wait3A_239] : memref<32768x1024xf32, #tpu.memory_space<hbm>> -> memref<16x1024xf32, #tpu.memory_space<hbm>>
    tpu.wait_dma2 semaphore(%arg23 : memref<!tpu.dma_semaphore, #tpu.memory_space<semaphore_mem>>) src(%arg11 : memref<16x1024xf32, #tpu.memory_space<vmem>>) dst(%dma_wait3A_240 : memref<16x1024xf32, #tpu.memory_space<hbm>>)
    %add3A_241 = arith.constant 960 : i32
    %add3A_242 = arith.addi %mul3A_2, %add3A_241 : i32
    %dma_wait3A_243 = arith.constant 0 : i32
    %dma_wait3A_244 = tpu.memref_slice %arg4[%add3A_242, %dma_wait3A_243] : memref<32768x1024xf32, #tpu.memory_space<hbm>> -> memref<16x1024xf32, #tpu.memory_space<hbm>>
    %dma_wait3A_245 = arith.constant 0 : i32
    %dma_wait3A_246 = tpu.memref_slice %arg4[%add3A_242, %dma_wait3A_245] : memref<32768x1024xf32, #tpu.memory_space<hbm>> -> memref<16x1024xf32, #tpu.memory_space<hbm>>
    tpu.wait_dma2 semaphore(%arg18 : memref<!tpu.dma_semaphore, #tpu.memory_space<semaphore_mem>>) src(%arg6 : memref<16x1024xf32, #tpu.memory_space<vmem>>) dst(%dma_wait3A_246 : memref<16x1024xf32, #tpu.memory_space<hbm>>)
    %add3A_247 = arith.constant 976 : i32
    %add3A_248 = arith.addi %mul3A_2, %add3A_247 : i32
    %dma_wait3A_249 = arith.constant 0 : i32
    %dma_wait3A_250 = tpu.memref_slice %arg4[%add3A_248, %dma_wait3A_249] : memref<32768x1024xf32, #tpu.memory_space<hbm>> -> memref<16x1024xf32, #tpu.memory_space<hbm>>
    %dma_wait3A_251 = arith.constant 0 : i32
    %dma_wait3A_252 = tpu.memref_slice %arg4[%add3A_248, %dma_wait3A_251] : memref<32768x1024xf32, #tpu.memory_space<hbm>> -> memref<16x1024xf32, #tpu.memory_space<hbm>>
    tpu.wait_dma2 semaphore(%arg19 : memref<!tpu.dma_semaphore, #tpu.memory_space<semaphore_mem>>) src(%arg7 : memref<16x1024xf32, #tpu.memory_space<vmem>>) dst(%dma_wait3A_252 : memref<16x1024xf32, #tpu.memory_space<hbm>>)
    %add3A_253 = arith.constant 992 : i32
    %add3A_254 = arith.addi %mul3A_2, %add3A_253 : i32
    %dma_wait3A_255 = arith.constant 0 : i32
    %dma_wait3A_256 = tpu.memref_slice %arg4[%add3A_254, %dma_wait3A_255] : memref<32768x1024xf32, #tpu.memory_space<hbm>> -> memref<16x1024xf32, #tpu.memory_space<hbm>>
    %dma_wait3A_257 = arith.constant 0 : i32
    %dma_wait3A_258 = tpu.memref_slice %arg4[%add3A_254, %dma_wait3A_257] : memref<32768x1024xf32, #tpu.memory_space<hbm>> -> memref<16x1024xf32, #tpu.memory_space<hbm>>
    tpu.wait_dma2 semaphore(%arg20 : memref<!tpu.dma_semaphore, #tpu.memory_space<semaphore_mem>>) src(%arg8 : memref<16x1024xf32, #tpu.memory_space<vmem>>) dst(%dma_wait3A_258 : memref<16x1024xf32, #tpu.memory_space<hbm>>)
    %add3A_259 = arith.constant 1008 : i32
    %add3A_260 = arith.addi %mul3A_2, %add3A_259 : i32
    %dma_wait3A_261 = arith.constant 0 : i32
    %dma_wait3A_262 = tpu.memref_slice %arg4[%add3A_260, %dma_wait3A_261] : memref<32768x1024xf32, #tpu.memory_space<hbm>> -> memref<16x1024xf32, #tpu.memory_space<hbm>>
    %dma_wait3A_263 = arith.constant 0 : i32
    %dma_wait3A_264 = tpu.memref_slice %arg4[%add3A_260, %dma_wait3A_263] : memref<32768x1024xf32, #tpu.memory_space<hbm>> -> memref<16x1024xf32, #tpu.memory_space<hbm>>
    tpu.wait_dma2 semaphore(%arg21 : memref<!tpu.dma_semaphore, #tpu.memory_space<semaphore_mem>>) src(%arg9 : memref<16x1024xf32, #tpu.memory_space<vmem>>) dst(%dma_wait3A_264 : memref<16x1024xf32, #tpu.memory_space<hbm>>)
    return
  }
}

</mosaic_0001>

<sc_bundles>
// kernel: kernel.3.cloned.1.call-start
scs
__scs_entry_jumppad:
0x0: {  	(pc) =	sbr.rel $0x88, $3  }
0x1: {  	(tag) =	ssettag $0x0;
	lr =	simm.s32 $0x1  }
0x2: {  	[smem:$0x3F9F] =	sst lr;
	_ =	strace $0xD0000000  }
0x3: {  	_ = 	snop  }
0x4: {  	_ = 	snop  }
0x5: {  	_ = 	snop  }
0x6: {  	_ = 	snop  }
0x7: {  	_ = 	snop  }
__scs_overlays_trampoline_lowered:
0x8: {  	[smem:$0x3FAE] =	sst s0  }
0x9: {  	[smem:$0x3FAF] =	sst s1  }
0xa: {  	[smem:$0x3FB0] =	sst s2  }
0xb: {  	[smem:$0x3FB1] =	sst s3  }
0xc: {  	[smem:$0x3FB2] =	sst s4  }
0xd: {  	[smem:$0x3FB3] =	sst s5  }
0xe: {  	[smem:$0x3FB4] =	sst s6  }
0xf: {  	[smem:$0x3FB5] =	sst s7  }
0x10: {  	[smem:$0x3FB6] =	sst s8  }
0x11: {  	[smem:$0x3FB7] =	sst s9;
	s0 =	simm.s32 @!p0 $0x0  }
0x12: {  	s1 =	sld [smem:$0x3F9D];
	s0 =	simm.s32 @p0 $0x1  }
0x13: {  	[smem:$0x3FB8] =	sst s0;
	s0 =	simm.s32 @!p1 $0x0  }
0x14: {  	s2 =	sld [smem:$0x3F9C];
	s0 =	simm.s32 @p1 $0x1  }
0x15: {  	[smem:$0x3FB9] =	sst s0;
	s0 =	simm.s32 @!p2 $0x0  }
0x16: {  	s3 =	sld [smem:$0x3FDB];
	s0 =	simm.s32 @p2 $0x1  }
0x17: {  	s4 =	simm.s32 $0x1BF5;
	[smem:$0x3FBB] =	sst s0  }
0x18: {  	s0 =	sld [smem:$0x3F9E];
	_ =	swait.ge [sflag:s4], $0x0  }
0x19: {  	s7 =	sld [smem:$0x3F9F]  }
0x1a: {  	s8 =	sadd.s32 $0xFFFFE003, lr  }
0x1b: {  	s9 =	sadd.s32 $0xFFFFFEF7, lr;
	s5 =	simm.s32 $0xFFFFFFFF;
	p2 =	slt.u32 s8, $0xFFFFF086  }
0x1c: {  	p1 =	slt.u32 s9, $0xF7A;
	s5 =	simm.s32 @!p2 $0x0  }
0x1d: {  	s5 =	simm.s32 @p1 $0x1;
	p0 =	seq.s32 s7, s2  }
0x1e: {  	s7 =	smul.u32 @!p0 $0xF7A, s2;
	p2 =	seq.s32 @!p0 s5, $0x0  }
0x1f: {  	s9 =	smul.u32 $0xF7A, s1;
	s8 =	simm.s32 @!p0 $0x1BF5;
	p2 =	por !p2, p0  }
0x20: {  	[sflag:s8] =	ssyncset.s32 @!p0 $0xFFFFF086;
	s6 =	sadd.s32 @!p0 s3, s7;
	s7 =	simm.s32 @!p0 $0x108  }
0x21: {  	s3 =	sadd.s32 s3, s9;
	s6 =	sadd.s32 @!p0 $0x88, s6;
	s7 =	simm.s32 @p2 $0x1082  }
0x22: {  	[simem:s7], [sflag:s8] =	dma.local @!p0 [hbm:s6], $0xF7A  }
0x23: {  	s9 =	sor.u32 $0xD0000000, s2;
	s6 =	simm.s32 $0x108;
	_ =	swait.ge @!p0 [sflag:s8], $0x0  }
0x24: {  	s3 =	sadd.s32 $0x88, s3;
	s6 =	simm.s32 @!p1 $0x1082;
	[sflag:s4] =	ssyncset.s32 $0xFFFFF086  }
0x25: {  	[simem:s6], [sflag:s4] =	dma.local [hbm:s3], $0xF7A  }
0x26: {  	[smem:$0x3F9F] =	sst s1;
	(tag) =	ssettag s2;
	_ =	strace s9  }
0x27: {  	s1 =	sld [smem:$0x3FAF]  }
0x28: {  	s2 =	sld [smem:$0x3FB0]  }
0x29: {  	s4 =	sld [smem:$0x3FB2]  }
0x2a: {  	p0 =	seq.s32 s5, $0x0;
	s5 =	sld [smem:$0x3FB3]  }
0x2b: {  	s6 =	sld [smem:$0x3FB4]  }
0x2c: {  	s7 =	sld [smem:$0x3FB5]  }
0x2d: {  	s3 =	simm.s32 $0x108;
	s8 =	sld [smem:$0x3FB6]  }
0x2e: {  	s3 =	simm.s32 @!p0 $0x1082;
	s9 =	sld [smem:$0x3FB7]  }
0x2f: {  	lr =	sadd.s32 s0, s3;
	s0 =	sld [smem:$0x3FAE]  }
0x30: {  	s3 =	sld [smem:$0x3FB1]  }
0x31: {  	[smem:$0x3FBA] =	sst s10  }
0x32: {  	s10 =	sld [smem:$0x3FB8];
	_ =	sdelay $0x3  }
0x33: {  	p0 =	seq.s32 s10, $0x1;
	s10 =	sld [smem:$0x3FBA];
	_ =	sdelay $0x3  }
0x34: {  	[smem:$0x3FBA] =	sst s10  }
0x35: {  	s10 =	sld [smem:$0x3FB9];
	_ =	sdelay $0x3  }
0x36: {  	p1 =	seq.s32 s10, $0x1;
	s10 =	sld [smem:$0x3FBA];
	_ =	sdelay $0x3  }
0x37: {  	[smem:$0x3FBA] =	sst s10  }
0x38: {  	s10 =	sld [smem:$0x3FBB]  }
0x39: {  	_ = 	snop;
	(pc) =	sbr.ind lr, $3  }
0x3a: {  	_ = 	snop  }
0x3b: {  	_ = 	snop  }
0x3c: {  	p2 =	seq.s32 s10, $0x1;
	s10 =	sld [smem:$0x3FBA]  }
0x3d: {  	_ =	shalt  }
0x3e: {  	_ =	shalt  }
0x3f: {  	_ =	shalt  }
0x40: {  	_ =	shalt  }
0x41: {  	_ =	shalt  }
0x42: {  	_ =	shalt  }
0x43: {  	_ =	shalt  }
0x44: {  	_ =	shalt  }
0x45: {  	_ =	shalt  }
0x46: {  	_ =	shalt  }
0x47: {  	_ =	shalt  }
0x48: {  	_ =	shalt  }
0x49: {  	_ =	shalt  }
0x4a: {  	_ =	shalt  }
0x4b: {  	_ =	shalt  }
0x4c: {  	_ =	shalt  }
0x4d: {  	_ =	shalt  }
0x4e: {  	_ =	shalt  }
0x4f: {  	_ =	shalt  }
0x50: {  	_ =	shalt  }
0x51: {  	_ =	shalt  }
0x52: {  	_ =	shalt  }
0x53: {  	_ =	shalt  }
0x54: {  	_ =	shalt  }
0x55: {  	_ =	shalt  }
0x56: {  	_ =	shalt  }
0x57: {  	_ =	shalt  }
0x58: {  	_ =	shalt  }
0x59: {  	_ =	shalt  }
0x5a: {  	_ =	shalt  }
0x5b: {  	_ =	shalt  }
0x5c: {  	_ =	shalt  }
0x5d: {  	_ =	shalt  }
0x5e: {  	_ =	shalt  }
0x5f: {  	_ =	shalt  }
0x60: {  	_ =	shalt  }
0x61: {  	_ =	shalt  }
0x62: {  	_ =	shalt  }
0x63: {  	_ =	shalt  }
0x64: {  	_ =	shalt  }
0x65: {  	_ =	shalt  }
0x66: {  	_ =	shalt  }
0x67: {  	_ =	shalt  }
0x68: {  	_ =	shalt  }
0x69: {  	_ =	shalt  }
0x6a: {  	_ =	shalt  }
0x6b: {  	_ =	shalt  }
0x6c: {  	_ =	shalt  }
0x6d: {  	_ =	shalt  }
0x6e: {  	_ =	shalt  }
0x6f: {  	_ =	shalt  }
0x70: {  	_ =	shalt  }
0x71: {  	_ =	shalt  }
0x72: {  	_ =	shalt  }
0x73: {  	_ =	shalt  }
0x74: {  	_ =	shalt  }
0x75: {  	_ =	shalt  }
0x76: {  	_ =	shalt  }
0x77: {  	_ =	shalt  }
0x78: {  	_ =	shalt  }
0x79: {  	_ =	shalt  }
0x7a: {  	_ =	shalt  }
0x7b: {  	_ =	shalt  }
0x7c: {  	_ =	shalt  }
0x7d: {  	_ =	shalt  }
0x7e: {  	_ =	shalt  }
0x7f: {  	_ =	shalt  }
0x80: {  	_ =	shalt  }
0x81: {  	_ =	shalt  }
0x82: {  	_ =	shalt  }
0x83: {  	_ =	shalt  }
0x84: {  	_ =	shalt  }
0x85: {  	_ =	shalt  }
0x86: {  	_ =	shalt  }
0x87: {  	_ =	shalt  }
.Lfunc_end0:
.L_simem_size_0:
called_computation_lowered:
.L_overlay_start_0:
0x88: {  	s2 =	sld [smem:$0x3FD9]  }
0x89: {  	s3 =	sld [smem:$0x3FFE];
	_ =	sdelay $0x1  }
0x8a: {  	s1 =	srdreg.scid  }
0x8b: {  	s0 =	sand.u32 $0x1, s1  }
0x8c: {  	s17 =	sshll.u32 s0, $0xA;
	s2 =	sadd.s32 s3, s2  }
0x8d: {  	s2 =	sadd.s32 s2, s17  }
0x8e: {  	[smem:$0x3FC6] =	sst s2  }
0x8f: {  	_ = 	snop  }
0x90: {  	s2 =	sld [smem:$0x3FC8]  }
0x91: {  	s18 =	sld [smem:$0x3FD0];
	(tm) =	ssettm $0x1  }
0x92: {  	s4 =	sld [smem:$0x3FFB];
	_ =	sdelay $0x3  }
0x93: {  	_ =	strace s4  }
0x94: {  	s4 =	sld [smem:$0x3FFC];
	_ =	sdelay $0x3  }
0x95: {  	_ =	strace s4  }
0x96: {  	s4 =	sld [smem:$0x3FFD];
	_ =	sdelay $0x3  }
0x97: {  	_ =	strace s4  }
0x98: {  	_ =	strace $0x8FFFFFFF  }
0x99: {  	s19 =	sld [smem:$0x3FDB];
	_ =	sdelay $0x1  }
0x9a: {  	s5 =	simm.s32 $_scs_section_size  }
0x9b: {  	s6 =	simm.s32 $_size__tile_overlayer_lowered;
	s7 =	simm.s32 $_tile_overlayer_lowered  }
0x9c: {  	s22 =	simm.s32 $0x1BFF;
	s21 =	sshll.u32 s7, $0x1;
	s4 =	sadd.s32 s5, s19  }
0x9d: {  	s8 =	simm.s32 $0x0;
	s20 =	sshll.u32 s6, $0x1;
	s6 =	sadd.s32 s21, s4  }
0x9e: {  	[timem:s8], [sflag:s22] =	dma.local [hbm:s6], s20  }
0x9f: {  	_ =	swait.ge [sflag:s22], s20  }
0xa0: {  	s5 =	ssub.s32 $0x0, s20;
	[sflag:s22] =	ssyncset.done $0x0  }
0xa1: {  	[sflag:s22] =	ssyncadd.s32 s5;
	_ =	sdelay $0x1  }
0xa2: {  	s23 =	simm.s32 $0x1B8B  }
0xa3: {  	_ =	swait.ge [sflag:s23], $0x1  }
0xa4: {  	[sflag:s23] =	ssyncset.done $0x0  }
0xa5: {  	s25 =	simm.s32 $0x1B8E;
	s24 =	sld [smem:$0x3FFE];
	[sflag:s23] =	ssyncadd.s32 $0xFFFFFFFF  }
0xa6: {  	s26 =	simm.s32 $execute0_lowered;
	[smem:$0x3FD2] =	sst s25  }
0xa7: {  	s6 =	sshll.u32 s26, $0x1;
	_ =	strace $0x80000046;
	[dreg:$0x1] =	wrdreg $0xFFFFFFFF  }
0xa8: {  	s28 =	simm.s32 $_size_execute0_lowered;
	s4 =	sadd.s32 s4, s6;
	[dreg:$0x0] =	wrdreg $0x0  }
0xa9: {  	s6 =	sshll.u32 s28, $0x1;
	[dreg:$0x2] =	wrdreg s4  }
0xaa: {  	[dreg:$0x3] =	wrdreg s6  }
0xab: {  	[dreg:$0x4] =	wrdreg $0xC0  }
0xac: {  	_ =	task [dreg:s8], $0x5FFFF  }
0xad: {  	[dreg:$0x1] =	wrdreg $0xFFFFFFFF  }
0xae: {  	[dreg:$0x0] =	wrdreg $0x60  }
0xaf: {  	[dreg:$0x2] =	wrdreg s24  }
0xb0: {  	[dreg:$0x3] =	wrdreg s2  }
0xb1: {  	[dreg:$0x4] =	wrdreg s18  }
0xb2: {  	[dreg:$0x5] =	wrdreg $0x9  }
0xb3: {  	_ =	task.clear_ibuf [dreg:s8], $0x6FFFF;
	_ =	strace $0x90000046  }
0xb4: {  	s29 =	simm.s32 $0x9;
	_ =	strace $0x80000048  }
0xb5: {  	_ =	swait.ge [sflag:s29], $0x1  }
0xb6: {  	[sflag:s29] =	ssyncadd.s32 $0xFFFFFFFF  }
0xb7: {  	_ =	strace $0x90000048  }
0xb8: {  	_ =	sfence  }
0xb9: {  	s30 =	sld [smem:$0x0];
	_ =	sdelay $0x2  }
0xba: {  	s31 =	sshll.u32 s1, $0xD;
	s1 =	sshrl.u32 s1, $0x2  }
0xbb: {  	s3 =	sand.u32 $0x4000, s31;
	s1 =	sadd.s32 s1, s30  }
0xbc: {  	s0 =	sor.u32 s3, s0;
	s1 =	sshll.u32 s1, $0x11  }
0xbd: {  	s0 =	sor.u32 s1, s0  }
0xbe: {  	s0 =	sadd.s32 $0x8F2B, s0  }
0xbf: {  	[sflag:s0] =	ssyncadd.remote.s32 $0x1  }
0xc0: {  	_ =	sfence.sel $0xFFFF  }
0xc1: {  	[dreg:$0x0] =	wrdreg $0xFFFFFFFF;
	(pc) =	sbr.abs _section_cstart, $3  }
0xc2: {  	[dreg:$0x1] =	wrdreg $0xFFFFFFFF  }
0xc3: {  	_ =	task.clear_ibuf [dreg:s8], $0x2FFFF;
	_ =	strace $0x9FFFFFFF  }
0xc4: {  	(tm) =	ssettm $0x7FFFFFFF  }
0xc5: {  	_ =	shalt  }
tec
execute0_lowered:
.L_overlay_start_1:
0x0: {  	(tag) =	ssettag $0x1  }
0x1: {  	s0 =	rddreg [dreg:$0x0]  }
0x2: {  	s2 =	rddreg [dreg:$0x1];
	s1 =	srdreg.scid  }
0x3: {  	s9 =	stileid.u32;
	s4 =	rddreg [dreg:$0x2]  }
0x4: {  	s3 =	simm.s32 $0x0;
	s28 =	simm.s32 $0x12000;
	s31 =	simm.s32 $0x12800  }
0x5: {  	s12 =	simm.s32 $0x15800;
	s29 =	simm.s32 $0x16000;
	s13 =	simm.s32 $0xA  }
0x6: {  	s30 =	simm.s32 $0xC;
	s1 =	sand.u32 $0x1, s1;
	s5 =	sshll.u32 s9, $0x1  }
0x7: {  	[smem:$0x7FF] =	sst s3;
	s8 =	sadd.s32 $0x300, s2;
	s5 =	sor.u32 s1, s5  }
0x8: {  	s23 =	sshll.u32 s9, $0x12;
	s6 =	sshll.u32 s5, $0xA;
	s16 =	sshll.u32 s5, $0x11  }
0x9: {  	s9 =	simm.s32 $0x5;
	s0 =	sadd.s32 s6, s0;
	s10 =	sadd.s32 s4, s16  }
0xa: {  	_ =	strace $0x80000047;
	s0 =	sadd.s32 $0x400, s0;
	[dreg:$0x6] =	wrdreg s10  }
0xb: {  	s7 =	ssub.s32 $0x2, s1;
	s17 =	sadd.s32 $0x1000, s10;
	[dreg:$0x5] =	wrdreg s0  }
0xc: {  	s1 =	sshll.u32 s1, $0x11;
	s18 =	sadd.s32 $0x1800, s10;
	[dreg:$0x8] =	wrdreg s17  }
0xd: {  	s15 =	sshrl.u32 s7, $0x1;
	s19 =	sadd.s32 $0x2000, s10;
	[dreg:$0x9] =	wrdreg s18  }
0xe: {  	s5 =	sadd.s32 $0x100, s2;
	s20 =	sadd.s32 $0x2800, s10;
	[dreg:$0xa] =	wrdreg s19  }
0xf: {  	s7 =	ssub.s32 s7, s15;
	s21 =	sadd.s32 $0x1E000, s10;
	[dreg:$0xb] =	wrdreg s20  }
0x10: {  	s6 =	sadd.s32 $0x200, s2;
	s22 =	sadd.s32 $0x1E800, s10;
	[dreg:$0xc] =	wrdreg s21  }
0x11: {  	s15 =	simm.s32 $0x13800;
	s24 =	sadd.s32 $0x1F000, s10;
	[dreg:$0xd] =	wrdreg s22  }
0x12: {  	s16 =	simm.s32 $0x14800;
	s25 =	sadd.s32 $0x1F800, s10;
	[dreg:$0xe] =	wrdreg s24  }
0x13: {  	s26 =	smax.u32 s7, $0x1;
	s7 =	simm.s32 $0x0;
	[dreg:$0xf] =	wrdreg s25  }
0x14: {  	s0 =	sadd.s32 $0x800, s10;
	[dreg:$0x10] =	wrdreg s26;
	s24 =	simm.s32 $0x13000  }
0x15: {  	s20 =	simm.s32 $0x15000;
	s17 =	simm.s32 $0x2;
	s18 =	simm.s32 $0x4  }
0x16: {  	s10 =	simm.s32 $0x6;
	s19 =	simm.s32 $0x7;
	s21 =	simm.s32 $0x8  }
0x17: {  	v2 =	vlaneseq.u32;
	s22 =	simm.s32 $0x9;
	[dreg:$0x7] =	wrdreg s0;
	s0 =	sadd.s32 s23, s4  }
0x18: {  	vm0 =	vmmov $0xffff;
	v1 =	vshrl.u32 v2, $0x3;
	s4 =	simm.s32 $0x3;
	s23 =	simm.s32 $0xB;
	s0 =	sadd.s32 s1, s0  }
0x19: {  	v0 =	vand.u32 $0x7, v2;
	v2 =	vor.u32 $0x8, v2;
	v1 =	vmul.u32 $0x8, v1;
	s1 =	simm.s32 $0x14000;
	[dreg:$0x4] =	wrdreg s0;
	s0 =	simm.s32 $0x1  }
.LBB2_1:
0x1a: {  	[dreg:$0x11] =	wrdreg s7  }
0x1b: {  	s14 =	rddreg [dreg:$0x5];
	s7 =	simm.s32 $0xD  }
0x1c: {  	[tilespmem:s3], [sflag:$0xD] =	stream.linear.gather [hbm4b:s14+s3], $0x2000, $0x38;
	[tilespmem:$0x1A000] =	vst v63  }
0x1d: {  	_ =	swait.ge [sflag:s7], $0x2000  }
0x1e: {  	[sflag:s7] =	ssyncset.done $0x0  }
0x1f: {  	[sflag:s7] =	ssyncadd.s32 $0xFFFFE000  }
0x20: {  	v3 =	vld [tilespmem:$0x0];
	_ =	sdelay $0x4  }
0x21: {  	v4 =	vshll.u32 v3, $0x3  }
0x22: {  	v3 =	vand.u32 $0x7, v3;
	v4 =	vand.u32 $0xFFFFFFC0, v4  }
0x23: {  	v3 =	vor.u32 v3, v4  }
0x24: {  	v4 =	vperm.xlane v3, v0;
	_ =	sdelay $0x1  }
0x25: {  	v4 =	vadd.s32 v1, v4;
	_ =	sdelay $0x3  }
0x26: {  	s25 =	simm.s32 $0x2000  }
0x27: {  	[tilespmem:s25], [sflag:$0x1] =	stream.indirect_vreg.gather [hbm4b:s2+s3], $0x80, v4, vm0, $0xb8;
	[tilespmem:$0x1A000] =	vst v63  }
0x28: {  	s11 =	simm.s32 $0x2800;
	v3 =	vperm.xlane v3, v2  }
0x29: {  	[tilespmem:s11], [sflag:$0x1] =	stream.indirect_vreg.gather [hbm4b:s5+s3], $0x80, v4, vm0, $0xb8;
	[tilespmem:$0x1A000] =	vst v63  }
0x2a: {  	s26 =	simm.s32 $0x3000;
	v3 =	vadd.s32 v1, v3  }
0x2b: {  	[tilespmem:s26], [sflag:$0x1] =	stream.indirect_vreg.gather [hbm4b:s6+s3], $0x80, v4, vm0, $0xb8;
	[tilespmem:$0x1A000] =	vst v63  }
0x2c: {  	s7 =	simm.s32 $0x3800  }
0x2d: {  	[tilespmem:s7], [sflag:$0x1] =	stream.indirect_vreg.gather [hbm4b:s8+s3], $0x80, v4, vm0, $0xb8;
	[tilespmem:$0x1A000] =	vst v63  }
0x2e: {  	s11 =	simm.s32 $0x4000  }
0x2f: {  	[tilespmem:s11], [sflag:$0x1] =	stream.indirect_vreg.gather [hbm4b:s2+s3], $0x80, v3, vm0, $0xb8;
	[tilespmem:$0x1A000] =	vst v63  }
0x30: {  	s26 =	simm.s32 $0x4800  }
0x31: {  	[tilespmem:s26], [sflag:$0x1] =	stream.indirect_vreg.gather [hbm4b:s5+s3], $0x80, v3, vm0, $0xb8;
	[tilespmem:$0x1A000] =	vst v63  }
0x32: {  	s7 =	simm.s32 $0x5000  }
0x33: {  	[tilespmem:s7], [sflag:$0x1] =	stream.indirect_vreg.gather [hbm4b:s6+s3], $0x80, v3, vm0, $0xb8;
	[tilespmem:$0x1A000] =	vst v63  }
0x34: {  	s11 =	simm.s32 $0x5800  }
0x35: {  	[tilespmem:s11], [sflag:$0x1] =	stream.indirect_vreg.gather [hbm4b:s8+s3], $0x80, v3, vm0, $0xb8;
	[tilespmem:$0x1A000] =	vst v63  }
0x36: {  	v3 =	vld [tilespmem:$0x80];
	_ =	sdelay $0x4  }
0x37: {  	v59 =	vshll.u32 v3, $0x3  }
0x38: {  	v3 =	vand.u32 $0x7, v3;
	v4 =	vand.u32 $0xFFFFFFC0, v59  }
0x39: {  	v3 =	vor.u32 v3, v4  }
0x3a: {  	v4 =	vperm.xlane v3, v0;
	_ =	sdelay $0x1  }
0x3b: {  	v4 =	vadd.s32 v1, v4;
	_ =	sdelay $0x3  }
0x3c: {  	s11 =	simm.s32 $0x6000  }
0x3d: {  	[tilespmem:s11], [sflag:$0x2] =	stream.indirect_vreg.gather [hbm4b:s2+s3], $0x80, v4, vm0, $0xb8;
	[tilespmem:$0x1A000] =	vst v63  }
0x3e: {  	s26 =	simm.s32 $0x6800;
	v3 =	vperm.xlane v3, v2  }
0x3f: {  	[tilespmem:s26], [sflag:$0x2] =	stream.indirect_vreg.gather [hbm4b:s5+s3], $0x80, v4, vm0, $0xb8;
	[tilespmem:$0x1A000] =	vst v63  }
0x40: {  	s7 =	simm.s32 $0x7000;
	v3 =	vadd.s32 v1, v3  }
0x41: {  	[tilespmem:s7], [sflag:$0x2] =	stream.indirect_vreg.gather [hbm4b:s6+s3], $0x80, v4, vm0, $0xb8;
	[tilespmem:$0x1A000] =	vst v63  }
0x42: {  	s26 =	simm.s32 $0x7800  }
0x43: {  	[tilespmem:s26], [sflag:$0x2] =	stream.indirect_vreg.gather [hbm4b:s8+s3], $0x80, v4, vm0, $0xb8;
	[tilespmem:$0x1A000] =	vst v63  }
0x44: {  	s7 =	simm.s32 $0x8000  }
0x45: {  	[tilespmem:s7], [sflag:$0x2] =	stream.indirect_vreg.gather [hbm4b:s2+s3], $0x80, v3, vm0, $0xb8;
	[tilespmem:$0x1A000] =	vst v63  }
0x46: {  	s26 =	simm.s32 $0x8800  }
0x47: {  	[tilespmem:s26], [sflag:$0x2] =	stream.indirect_vreg.gather [hbm4b:s5+s3], $0x80, v3, vm0, $0xb8;
	[tilespmem:$0x1A000] =	vst v63  }
0x48: {  	s7 =	simm.s32 $0x9000  }
0x49: {  	[tilespmem:s7], [sflag:$0x2] =	stream.indirect_vreg.gather [hbm4b:s6+s3], $0x80, v3, vm0, $0xb8;
	[tilespmem:$0x1A000] =	vst v63  }
0x4a: {  	s26 =	simm.s32 $0x9800  }
0x4b: {  	[tilespmem:s26], [sflag:$0x2] =	stream.indirect_vreg.gather [hbm4b:s8+s3], $0x80, v3, vm0, $0xb8;
	[tilespmem:$0x1A000] =	vst v63  }
0x4c: {  	v3 =	vld [tilespmem:$0x100];
	_ =	sdelay $0x4  }
0x4d: {  	v60 =	vshll.u32 v3, $0x3  }
0x4e: {  	v3 =	vand.u32 $0x7, v3;
	v4 =	vand.u32 $0xFFFFFFC0, v60  }
0x4f: {  	v3 =	vor.u32 v3, v4  }
0x50: {  	v4 =	vperm.xlane v3, v0;
	_ =	sdelay $0x1  }
0x51: {  	v4 =	vadd.s32 v1, v4;
	_ =	sdelay $0x3  }
0x52: {  	s26 =	simm.s32 $0xA000  }
0x53: {  	[tilespmem:s26], [sflag:$0x3] =	stream.indirect_vreg.gather [hbm4b:s2+s3], $0x80, v4, vm0, $0xb8;
	[tilespmem:$0x1A000] =	vst v63  }
0x54: {  	s7 =	simm.s32 $0xA800;
	v3 =	vperm.xlane v3, v2  }
0x55: {  	[tilespmem:s7], [sflag:$0x3] =	stream.indirect_vreg.gather [hbm4b:s5+s3], $0x80, v4, vm0, $0xb8;
	[tilespmem:$0x1A000] =	vst v63  }
0x56: {  	v3 =	vadd.s32 v1, v3;
	s7 =	simm.s32 $0xB000  }
0x57: {  	[tilespmem:s7], [sflag:$0x3] =	stream.indirect_vreg.gather [hbm4b:s6+s3], $0x80, v4, vm0, $0xb8;
	[tilespmem:$0x1A000] =	vst v63  }
0x58: {  	s7 =	simm.s32 $0xB800  }
0x59: {  	[tilespmem:s7], [sflag:$0x3] =	stream.indirect_vreg.gather [hbm4b:s8+s3], $0x80, v4, vm0, $0xb8;
	[tilespmem:$0x1A000] =	vst v63  }
0x5a: {  	s7 =	simm.s32 $0xC000  }
0x5b: {  	[tilespmem:s7], [sflag:$0x3] =	stream.indirect_vreg.gather [hbm4b:s2+s3], $0x80, v3, vm0, $0xb8;
	[tilespmem:$0x1A000] =	vst v63  }
0x5c: {  	s7 =	simm.s32 $0xC800  }
0x5d: {  	[tilespmem:s7], [sflag:$0x3] =	stream.indirect_vreg.gather [hbm4b:s5+s3], $0x80, v3, vm0, $0xb8;
	[tilespmem:$0x1A000] =	vst v63  }
0x5e: {  	s7 =	simm.s32 $0xD000  }
0x5f: {  	[tilespmem:s7], [sflag:$0x3] =	stream.indirect_vreg.gather [hbm4b:s6+s3], $0x80, v3, vm0, $0xb8;
	[tilespmem:$0x1A000] =	vst v63  }
0x60: {  	s7 =	simm.s32 $0xD800  }
0x61: {  	[tilespmem:s7], [sflag:$0x3] =	stream.indirect_vreg.gather [hbm4b:s8+s3], $0x80, v3, vm0, $0xb8;
	[tilespmem:$0x1A000] =	vst v63  }
0x62: {  	v3 =	vld [tilespmem:$0x180];
	_ =	sdelay $0x4  }
0x63: {  	v61 =	vshll.u32 v3, $0x3  }
0x64: {  	v3 =	vand.u32 $0x7, v3;
	v4 =	vand.u32 $0xFFFFFFC0, v61  }
0x65: {  	v3 =	vor.u32 v3, v4  }
0x66: {  	v4 =	vperm.xlane v3, v0;
	_ =	sdelay $0x1  }
0x67: {  	v4 =	vadd.s32 v1, v4;
	_ =	sdelay $0x3  }
0x68: {  	s7 =	simm.s32 $0xE000  }
0x69: {  	[tilespmem:s7], [sflag:$0x4] =	stream.indirect_vreg.gather [hbm4b:s2+s3], $0x80, v4, vm0, $0xb8;
	[tilespmem:$0x1A000] =	vst v63  }
0x6a: {  	s14 =	simm.s32 $0xE800;
	v3 =	vperm.xlane v3, v2  }
0x6b: {  	[tilespmem:s14], [sflag:$0x4] =	stream.indirect_vreg.gather [hbm4b:s5+s3], $0x80, v4, vm0, $0xb8;
	[tilespmem:$0x1A000] =	vst v63  }
0x6c: {  	v3 =	vadd.s32 v1, v3;
	s14 =	simm.s32 $0xF000  }
0x6d: {  	[tilespmem:s14], [sflag:$0x4] =	stream.indirect_vreg.gather [hbm4b:s6+s3], $0x80, v4, vm0, $0xb8;
	[tilespmem:$0x1A000] =	vst v63  }
0x6e: {  	s14 =	simm.s32 $0xF800  }
0x6f: {  	[tilespmem:s14], [sflag:$0x4] =	stream.indirect_vreg.gather [hbm4b:s8+s3], $0x80, v4, vm0, $0xb8;
	[tilespmem:$0x1A000] =	vst v63  }
0x70: {  	s14 =	simm.s32 $0x10000  }
0x71: {  	[tilespmem:s14], [sflag:$0x4] =	stream.indirect_vreg.gather [hbm4b:s2+s3], $0x80, v3, vm0, $0xb8;
	[tilespmem:$0x1A000] =	vst v63  }
0x72: {  	s14 =	simm.s32 $0x10800  }
0x73: {  	[tilespmem:s14], [sflag:$0x4] =	stream.indirect_vreg.gather [hbm4b:s5+s3], $0x80, v3, vm0, $0xb8;
	[tilespmem:$0x1A000] =	vst v63  }
0x74: {  	s14 =	simm.s32 $0x11000  }
0x75: {  	[tilespmem:s14], [sflag:$0x4] =	stream.indirect_vreg.gather [hbm4b:s6+s3], $0x80, v3, vm0, $0xb8;
	[tilespmem:$0x1A000] =	vst v63  }
0x76: {  	s14 =	simm.s32 $0x11800  }
0x77: {  	[tilespmem:s14], [sflag:$0x4] =	stream.indirect_vreg.gather [hbm4b:s8+s3], $0x80, v3, vm0, $0xb8;
	[tilespmem:$0x1A000] =	vst v63  }
0x78: {  	v3 =	vld [tilespmem:$0x200];
	_ =	sdelay $0x4  }
0x79: {  	v62 =	vshll.u32 v3, $0x3  }
0x7a: {  	v3 =	vand.u32 $0x7, v3;
	v4 =	vand.u32 $0xFFFFFFC0, v62  }
0x7b: {  	v3 =	vor.u32 v3, v4  }
0x7c: {  	v4 =	vperm.xlane v3, v0;
	_ =	sdelay $0x1  }
0x7d: {  	v4 =	vadd.s32 v1, v4;
	_ =	sdelay $0x4  }
0x7e: {  	[tilespmem:s28], [sflag:$0x5] =	stream.indirect_vreg.gather [hbm4b:s2+s3], $0x80, v4, vm0, $0xb8;
	[tilespmem:$0x1A000] =	vst v63  }
0x7f: {  	v3 =	vperm.xlane v3, v2  }
0x80: {  	[tilespmem:s31], [sflag:$0x5] =	stream.indirect_vreg.gather [hbm4b:s5+s3], $0x80, v4, vm0, $0xb8;
	[tilespmem:$0x1A000] =	vst v63  }
0x81: {  	v3 =	vadd.s32 v1, v3  }
0x82: {  	[tilespmem:s24], [sflag:$0x5] =	stream.indirect_vreg.gather [hbm4b:s6+s3], $0x80, v4, vm0, $0xb8;
	[tilespmem:$0x1A000] =	vst v63  }
0x83: {  	_ = 	snop  }
0x84: {  	[tilespmem:s15], [sflag:$0x5] =	stream.indirect_vreg.gather [hbm4b:s8+s3], $0x80, v4, vm0, $0xb8;
	[tilespmem:$0x1A000] =	vst v63  }
0x85: {  	_ = 	snop  }
0x86: {  	[tilespmem:s1], [sflag:$0x5] =	stream.indirect_vreg.gather [hbm4b:s2+s3], $0x80, v3, vm0, $0xb8;
	[tilespmem:$0x1A000] =	vst v63  }
0x87: {  	_ = 	snop  }
0x88: {  	[tilespmem:s16], [sflag:$0x5] =	stream.indirect_vreg.gather [hbm4b:s5+s3], $0x80, v3, vm0, $0xb8;
	[tilespmem:$0x1A000] =	vst v63  }
0x89: {  	_ = 	snop  }
0x8a: {  	[tilespmem:s20], [sflag:$0x5] =	stream.indirect_vreg.gather [hbm4b:s6+s3], $0x80, v3, vm0, $0xb8;
	[tilespmem:$0x1A000] =	vst v63  }
0x8b: {  	_ = 	snop  }
0x8c: {  	[tilespmem:s12], [sflag:$0x5] =	stream.indirect_vreg.gather [hbm4b:s8+s3], $0x80, v3, vm0, $0xb8;
	[tilespmem:$0x1A000] =	vst v63  }
0x8d: {  	v3 =	vld [tilespmem:$0x280];
	_ =	sdelay $0x4  }
0x8e: {  	v63 =	vshll.u32 v3, $0x3  }
0x8f: {  	v3 =	vand.u32 $0x7, v3;
	v4 =	vand.u32 $0xFFFFFFC0, v63  }
0x90: {  	v3 =	vor.u32 v3, v4  }
0x91: {  	v4 =	vperm.xlane v3, v0;
	_ =	sdelay $0x1  }
0x92: {  	v4 =	vadd.s32 v1, v4;
	_ =	sdelay $0x4  }
0x93: {  	[tilespmem:s29], [sflag:$0x6] =	stream.indirect_vreg.gather [hbm4b:s2+s3], $0x80, v4, vm0, $0xb8;
	[tilespmem:$0x1A000] =	vst v63  }
0x94: {  	s15 =	simm.s32 $0x16800;
	v3 =	vperm.xlane v3, v2  }
0x95: {  	[tilespmem:s15], [sflag:$0x6] =	stream.indirect_vreg.gather [hbm4b:s5+s3], $0x80, v4, vm0, $0xb8;
	[tilespmem:$0x1A000] =	vst v63  }
0x96: {  	s16 =	simm.s32 $0x17000;
	v3 =	vadd.s32 v1, v3  }
0x97: {  	[tilespmem:s16], [sflag:$0x6] =	stream.indirect_vreg.gather [hbm4b:s6+s3], $0x80, v4, vm0, $0xb8;
	[tilespmem:$0x1A000] =	vst v63  }
0x98: {  	s20 =	simm.s32 $0x17800  }
0x99: {  	[tilespmem:s20], [sflag:$0x6] =	stream.indirect_vreg.gather [hbm4b:s8+s3], $0x80, v4, vm0, $0xb8;
	[tilespmem:$0x1A000] =	vst v63  }
0x9a: {  	s24 =	simm.s32 $0x18000  }
0x9b: {  	[tilespmem:s24], [sflag:$0x6] =	stream.indirect_vreg.gather [hbm4b:s2+s3], $0x80, v3, vm0, $0xb8;
	[tilespmem:$0x1A000] =	vst v63  }
0x9c: {  	s12 =	simm.s32 $0x18800  }
0x9d: {  	[tilespmem:s12], [sflag:$0x6] =	stream.indirect_vreg.gather [hbm4b:s5+s3], $0x80, v3, vm0, $0xb8;
	[tilespmem:$0x1A000] =	vst v63  }
0x9e: {  	s14 =	simm.s32 $0x19000  }
0x9f: {  	[tilespmem:s14], [sflag:$0x6] =	stream.indirect_vreg.gather [hbm4b:s6+s3], $0x80, v3, vm0, $0xb8;
	[tilespmem:$0x1A000] =	vst v63  }
0xa0: {  	s15 =	simm.s32 $0x19800  }
0xa1: {  	[tilespmem:s15], [sflag:$0x6] =	stream.indirect_vreg.gather [hbm4b:s8+s3], $0x80, v3, vm0, $0xb8;
	[tilespmem:$0x1A000] =	vst v63  }
0xa2: {  	_ =	swait.ge [sflag:s0], $0x4000  }
0xa3: {  	[sflag:s0] =	ssyncset.done $0x0  }
0xa4: {  	s16 =	rddreg [dreg:$0x6];
	[sflag:s0] =	ssyncadd.s32 $0xFFFFC000  }
0xa5: {  	[hbm4b:s16+s3] =	stream.linear.scatter [tilespmem:s25], [sflag:$0x7], $0x4000, $0x38;
	[tilespmem:$0x1A000] =	vst v63  }
0xa6: {  	_ =	swait.ge [sflag:s17], $0x4000  }
0xa7: {  	[sflag:s17] =	ssyncset.done $0x0  }
0xa8: {  	s20 =	rddreg [dreg:$0x7];
	[sflag:s17] =	ssyncadd.s32 $0xFFFFC000  }
0xa9: {  	[hbm4b:s20+s3] =	stream.linear.scatter [tilespmem:s11], [sflag:$0x8], $0x4000, $0x38;
	[tilespmem:$0x1A000] =	vst v63  }
0xaa: {  	_ =	swait.ge [sflag:s4], $0x4000  }
0xab: {  	[sflag:s4] =	ssyncset.done $0x0  }
0xac: {  	s24 =	rddreg [dreg:$0x8];
	[sflag:s4] =	ssyncadd.s32 $0xFFFFC000  }
0xad: {  	[hbm4b:s24+s3] =	stream.linear.scatter [tilespmem:s26], [sflag:$0x9], $0x4000, $0x38;
	[tilespmem:$0x1A000] =	vst v63  }
0xae: {  	_ =	swait.ge [sflag:s18], $0x4000  }
0xaf: {  	[sflag:s18] =	ssyncset.done $0x0  }
0xb0: {  	s25 =	rddreg [dreg:$0x9];
	[sflag:s18] =	ssyncadd.s32 $0xFFFFC000  }
0xb1: {  	[hbm4b:s25+s3] =	stream.linear.scatter [tilespmem:s7], [sflag:$0xA], $0x4000, $0x38;
	[tilespmem:$0x1A000] =	vst v63  }
0xb2: {  	_ =	swait.ge [sflag:s9], $0x4000  }
0xb3: {  	[sflag:s9] =	ssyncset.done $0x0  }
0xb4: {  	s1 =	simm.s32 $0x14000;
	s26 =	rddreg [dreg:$0xa];
	[sflag:s9] =	ssyncadd.s32 $0xFFFFC000  }
0xb5: {  	[hbm4b:s26+s3] =	stream.linear.scatter [tilespmem:s28], [sflag:$0xB], $0x4000, $0x38;
	[tilespmem:$0x1A000] =	vst v63  }
0xb6: {  	s14 =	simm.s32 $0x0;
	s16 =	simm.s32 $0x14800;
	_ =	swait.ge [sflag:s10], $0x4000  }
0xb7: {  	s20 =	simm.s32 $0x15000;
	s24 =	simm.s32 $0x580;
	[sflag:s10] =	ssyncset.done $0x0  }
0xb8: {  	s26 =	simm.s32 $0x15800;
	s28 =	rddreg [dreg:$0xb];
	[sflag:s10] =	ssyncadd.s32 $0xFFFFC000  }
0xb9: {  	[hbm4b:s28+s3] =	stream.linear.scatter [tilespmem:s29], [sflag:$0xC], $0x4000, $0x38;
	[tilespmem:$0x1A000] =	vst v63  }
.LBB2_2:
0xba: {  	_ =	swait.ge [sflag:s19], $0x4000  }
0xbb: {  	[sflag:s19] =	ssyncset.done $0x0  }
0xbc: {  	[sflag:s19] =	ssyncadd.s32 $0xFFFFC000  }
0xbd: {  	v3 =	vld [tilespmem:s24+$0xFFFFFD80];
	_ =	sdelay $0x4  }
0xbe: {  	v4 =	vshll.u32 v3, $0x3  }
0xbf: {  	v3 =	vand.u32 $0x7, v3;
	v4 =	vand.u32 $0xFFFFFFC0, v4  }
0xc0: {  	v3 =	vor.u32 v3, v4  }
0xc1: {  	v4 =	vperm.xlane v3, v0;
	_ =	sdelay $0x1  }
0xc2: {  	v4 =	vadd.s32 v1, v4;
	_ =	sdelay $0x3  }
0xc3: {  	s29 =	simm.s32 $0x2000  }
0xc4: {  	[tilespmem:s29], [sflag:$0x1] =	stream.indirect_vreg.gather [hbm4b:s2+s3], $0x80, v4, vm0, $0xb8;
	[tilespmem:$0x1A000] =	vst v63  }
0xc5: {  	s25 =	simm.s32 $0x2800;
	v3 =	vperm.xlane v3, v2  }
0xc6: {  	[tilespmem:s25], [sflag:$0x1] =	stream.indirect_vreg.gather [hbm4b:s5+s3], $0x80, v4, vm0, $0xb8;
	[tilespmem:$0x1A000] =	vst v63  }
0xc7: {  	s7 =	simm.s32 $0x3000;
	v3 =	vadd.s32 v1, v3  }
0xc8: {  	[tilespmem:s7], [sflag:$0x1] =	stream.indirect_vreg.gather [hbm4b:s6+s3], $0x80, v4, vm0, $0xb8;
	[tilespmem:$0x1A000] =	vst v63  }
0xc9: {  	s11 =	simm.s32 $0x3800  }
0xca: {  	[tilespmem:s11], [sflag:$0x1] =	stream.indirect_vreg.gather [hbm4b:s8+s3], $0x80, v4, vm0, $0xb8;
	[tilespmem:$0x1A000] =	vst v63  }
0xcb: {  	s12 =	simm.s32 $0x4000  }
0xcc: {  	[tilespmem:s12], [sflag:$0x1] =	stream.indirect_vreg.gather [hbm4b:s2+s3], $0x80, v3, vm0, $0xb8;
	[tilespmem:$0x1A000] =	vst v63  }
0xcd: {  	s7 =	simm.s32 $0x4800  }
0xce: {  	[tilespmem:s7], [sflag:$0x1] =	stream.indirect_vreg.gather [hbm4b:s5+s3], $0x80, v3, vm0, $0xb8;
	[tilespmem:$0x1A000] =	vst v63  }
0xcf: {  	s11 =	simm.s32 $0x5000  }
0xd0: {  	[tilespmem:s11], [sflag:$0x1] =	stream.indirect_vreg.gather [hbm4b:s6+s3], $0x80, v3, vm0, $0xb8;
	[tilespmem:$0x1A000] =	vst v63  }
0xd1: {  	s12 =	simm.s32 $0x5800  }
0xd2: {  	[tilespmem:s12], [sflag:$0x1] =	stream.indirect_vreg.gather [hbm4b:s8+s3], $0x80, v3, vm0, $0xb8;
	[tilespmem:$0x1A000] =	vst v63  }
0xd3: {  	_ =	swait.ge [sflag:s21], $0x4000  }
0xd4: {  	[sflag:s21] =	ssyncset.done $0x0  }
0xd5: {  	[sflag:s21] =	ssyncadd.s32 $0xFFFFC000  }
0xd6: {  	v3 =	vld [tilespmem:s24+$0xFFFFFE00];
	_ =	sdelay $0x4  }
0xd7: {  	v59 =	vshll.u32 v3, $0x3  }
0xd8: {  	v3 =	vand.u32 $0x7, v3;
	v4 =	vand.u32 $0xFFFFFFC0, v59  }
0xd9: {  	v3 =	vor.u32 v3, v4  }
0xda: {  	v4 =	vperm.xlane v3, v0;
	_ =	sdelay $0x1  }
0xdb: {  	v4 =	vadd.s32 v1, v4;
	_ =	sdelay $0x3  }
0xdc: {  	s11 =	simm.s32 $0x6000  }
0xdd: {  	[tilespmem:s11], [sflag:$0x2] =	stream.indirect_vreg.gather [hbm4b:s2+s3], $0x80, v4, vm0, $0xb8;
	[tilespmem:$0x1A000] =	vst v63  }
0xde: {  	s7 =	simm.s32 $0x6800;
	v3 =	vperm.xlane v3, v2  }
0xdf: {  	[tilespmem:s7], [sflag:$0x2] =	stream.indirect_vreg.gather [hbm4b:s5+s3], $0x80, v4, vm0, $0xb8;
	[tilespmem:$0x1A000] =	vst v63  }
0xe0: {  	s12 =	simm.s32 $0x7000;
	v3 =	vadd.s32 v1, v3  }
0xe1: {  	[tilespmem:s12], [sflag:$0x2] =	stream.indirect_vreg.gather [hbm4b:s6+s3], $0x80, v4, vm0, $0xb8;
	[tilespmem:$0x1A000] =	vst v63  }
0xe2: {  	s7 =	simm.s32 $0x7800  }
0xe3: {  	[tilespmem:s7], [sflag:$0x2] =	stream.indirect_vreg.gather [hbm4b:s8+s3], $0x80, v4, vm0, $0xb8;
	[tilespmem:$0x1A000] =	vst v63  }
0xe4: {  	s12 =	simm.s32 $0x8000  }
0xe5: {  	[tilespmem:s12], [sflag:$0x2] =	stream.indirect_vreg.gather [hbm4b:s2+s3], $0x80, v3, vm0, $0xb8;
	[tilespmem:$0x1A000] =	vst v63  }
0xe6: {  	s7 =	simm.s32 $0x8800  }
0xe7: {  	[tilespmem:s7], [sflag:$0x2] =	stream.indirect_vreg.gather [hbm4b:s5+s3], $0x80, v3, vm0, $0xb8;
	[tilespmem:$0x1A000] =	vst v63  }
0xe8: {  	s12 =	simm.s32 $0x9000  }
0xe9: {  	[tilespmem:s12], [sflag:$0x2] =	stream.indirect_vreg.gather [hbm4b:s6+s3], $0x80, v3, vm0, $0xb8;
	[tilespmem:$0x1A000] =	vst v63  }
0xea: {  	s7 =	simm.s32 $0x9800  }
0xeb: {  	[tilespmem:s7], [sflag:$0x2] =	stream.indirect_vreg.gather [hbm4b:s8+s3], $0x80, v3, vm0, $0xb8;
	[tilespmem:$0x1A000] =	vst v63  }
0xec: {  	_ =	swait.ge [sflag:s22], $0x4000  }
0xed: {  	[sflag:s22] =	ssyncset.done $0x0  }
0xee: {  	[sflag:s22] =	ssyncadd.s32 $0xFFFFC000  }
0xef: {  	v3 =	vld [tilespmem:s24+$0xFFFFFE80];
	_ =	sdelay $0x4  }
0xf0: {  	v60 =	vshll.u32 v3, $0x3  }
0xf1: {  	v3 =	vand.u32 $0x7, v3;
	v4 =	vand.u32 $0xFFFFFFC0, v60  }
0xf2: {  	v3 =	vor.u32 v3, v4  }
0xf3: {  	v4 =	vperm.xlane v3, v0;
	_ =	sdelay $0x1  }
0xf4: {  	v4 =	vadd.s32 v1, v4;
	_ =	sdelay $0x3  }
0xf5: {  	s28 =	simm.s32 $0xA000  }
0xf6: {  	[tilespmem:s28], [sflag:$0x3] =	stream.indirect_vreg.gather [hbm4b:s2+s3], $0x80, v4, vm0, $0xb8;
	[tilespmem:$0x1A000] =	vst v63  }
0xf7: {  	s12 =	simm.s32 $0xA800;
	v3 =	vperm.xlane v3, v2  }
0xf8: {  	[tilespmem:s12], [sflag:$0x3] =	stream.indirect_vreg.gather [hbm4b:s5+s3], $0x80, v4, vm0, $0xb8;
	[tilespmem:$0x1A000] =	vst v63  }
0xf9: {  	v3 =	vadd.s32 v1, v3;
	s12 =	simm.s32 $0xB000  }
0xfa: {  	[tilespmem:s12], [sflag:$0x3] =	stream.indirect_vreg.gather [hbm4b:s6+s3], $0x80, v4, vm0, $0xb8;
	[tilespmem:$0x1A000] =	vst v63  }
0xfb: {  	s12 =	simm.s32 $0xB800  }
0xfc: {  	[tilespmem:s12], [sflag:$0x3] =	stream.indirect_vreg.gather [hbm4b:s8+s3], $0x80, v4, vm0, $0xb8;
	[tilespmem:$0x1A000] =	vst v63  }
0xfd: {  	s12 =	simm.s32 $0xC000  }
0xfe: {  	[tilespmem:s12], [sflag:$0x3] =	stream.indirect_vreg.gather [hbm4b:s2+s3], $0x80, v3, vm0, $0xb8;
	[tilespmem:$0x1A000] =	vst v63  }
0xff: {  	s12 =	simm.s32 $0xC800  }
0x100: {  	[tilespmem:s12], [sflag:$0x3] =	stream.indirect_vreg.gather [hbm4b:s5+s3], $0x80, v3, vm0, $0xb8;
	[tilespmem:$0x1A000] =	vst v63  }
0x101: {  	s12 =	simm.s32 $0xD000  }
0x102: {  	[tilespmem:s12], [sflag:$0x3] =	stream.indirect_vreg.gather [hbm4b:s6+s3], $0x80, v3, vm0, $0xb8;
	[tilespmem:$0x1A000] =	vst v63  }
0x103: {  	s12 =	simm.s32 $0xD800  }
0x104: {  	[tilespmem:s12], [sflag:$0x3] =	stream.indirect_vreg.gather [hbm4b:s8+s3], $0x80, v3, vm0, $0xb8;
	[tilespmem:$0x1A000] =	vst v63  }
0x105: {  	_ =	swait.ge [sflag:s13], $0x4000  }
0x106: {  	[sflag:s13] =	ssyncset.done $0x0  }
0x107: {  	[sflag:s13] =	ssyncadd.s32 $0xFFFFC000  }
0x108: {  	v3 =	vld [tilespmem:s24+$0xFFFFFF00];
	_ =	sdelay $0x4  }
0x109: {  	v61 =	vshll.u32 v3, $0x3  }
0x10a: {  	v3 =	vand.u32 $0x7, v3;
	v4 =	vand.u32 $0xFFFFFFC0, v61  }
0x10b: {  	v3 =	vor.u32 v3, v4  }
0x10c: {  	v4 =	vperm.xlane v3, v0;
	_ =	sdelay $0x1  }
0x10d: {  	v4 =	vadd.s32 v1, v4;
	_ =	sdelay $0x3  }
0x10e: {  	s12 =	simm.s32 $0xE000  }
0x10f: {  	[tilespmem:s12], [sflag:$0x4] =	stream.indirect_vreg.gather [hbm4b:s2+s3], $0x80, v4, vm0, $0xb8;
	[tilespmem:$0x1A000] =	vst v63  }
0x110: {  	s25 =	simm.s32 $0xE800;
	v3 =	vperm.xlane v3, v2  }
0x111: {  	[tilespmem:s25], [sflag:$0x4] =	stream.indirect_vreg.gather [hbm4b:s5+s3], $0x80, v4, vm0, $0xb8;
	[tilespmem:$0x1A000] =	vst v63  }
0x112: {  	v3 =	vadd.s32 v1, v3;
	s25 =	simm.s32 $0xF000  }
0x113: {  	[tilespmem:s25], [sflag:$0x4] =	stream.indirect_vreg.gather [hbm4b:s6+s3], $0x80, v4, vm0, $0xb8;
	[tilespmem:$0x1A000] =	vst v63  }
0x114: {  	s25 =	simm.s32 $0xF800  }
0x115: {  	[tilespmem:s25], [sflag:$0x4] =	stream.indirect_vreg.gather [hbm4b:s8+s3], $0x80, v4, vm0, $0xb8;
	[tilespmem:$0x1A000] =	vst v63  }
0x116: {  	s25 =	simm.s32 $0x10000  }
0x117: {  	[tilespmem:s25], [sflag:$0x4] =	stream.indirect_vreg.gather [hbm4b:s2+s3], $0x80, v3, vm0, $0xb8;
	[tilespmem:$0x1A000] =	vst v63  }
0x118: {  	s25 =	simm.s32 $0x10800  }
0x119: {  	[tilespmem:s25], [sflag:$0x4] =	stream.indirect_vreg.gather [hbm4b:s5+s3], $0x80, v3, vm0, $0xb8;
	[tilespmem:$0x1A000] =	vst v63  }
0x11a: {  	s25 =	simm.s32 $0x11000  }
0x11b: {  	[tilespmem:s25], [sflag:$0x4] =	stream.indirect_vreg.gather [hbm4b:s6+s3], $0x80, v3, vm0, $0xb8;
	[tilespmem:$0x1A000] =	vst v63  }
0x11c: {  	s25 =	simm.s32 $0x11800  }
0x11d: {  	[tilespmem:s25], [sflag:$0x4] =	stream.indirect_vreg.gather [hbm4b:s8+s3], $0x80, v3, vm0, $0xb8;
	[tilespmem:$0x1A000] =	vst v63  }
0x11e: {  	_ =	swait.ge [sflag:s23], $0x4000  }
0x11f: {  	[sflag:s23] =	ssyncset.done $0x0  }
0x120: {  	[sflag:s23] =	ssyncadd.s32 $0xFFFFC000  }
0x121: {  	v3 =	vld [tilespmem:s24+$0xFFFFFF80];
	_ =	sdelay $0x4  }
0x122: {  	v62 =	vshll.u32 v3, $0x3  }
0x123: {  	v3 =	vand.u32 $0x7, v3;
	v4 =	vand.u32 $0xFFFFFFC0, v62  }
0x124: {  	v3 =	vor.u32 v3, v4  }
0x125: {  	v4 =	vperm.xlane v3, v0;
	_ =	sdelay $0x1  }
0x126: {  	v4 =	vadd.s32 v1, v4;
	_ =	sdelay $0x3  }
0x127: {  	s7 =	simm.s32 $0x12000  }
0x128: {  	[tilespmem:s7], [sflag:$0x5] =	stream.indirect_vreg.gather [hbm4b:s2+s3], $0x80, v4, vm0, $0xb8;
	[tilespmem:$0x1A000] =	vst v63  }
0x129: {  	v3 =	vperm.xlane v3, v2  }
0x12a: {  	[tilespmem:s31], [sflag:$0x5] =	stream.indirect_vreg.gather [hbm4b:s5+s3], $0x80, v4, vm0, $0xb8;
	[tilespmem:$0x1A000] =	vst v63  }
0x12b: {  	s25 =	simm.s32 $0x13000;
	v3 =	vadd.s32 v1, v3  }
0x12c: {  	[tilespmem:s25], [sflag:$0x5] =	stream.indirect_vreg.gather [hbm4b:s6+s3], $0x80, v4, vm0, $0xb8;
	[tilespmem:$0x1A000] =	vst v63  }
0x12d: {  	s25 =	simm.s32 $0x13800  }
0x12e: {  	[tilespmem:s25], [sflag:$0x5] =	stream.indirect_vreg.gather [hbm4b:s8+s3], $0x80, v4, vm0, $0xb8;
	[tilespmem:$0x1A000] =	vst v63  }
0x12f: {  	_ = 	snop  }
0x130: {  	[tilespmem:s1], [sflag:$0x5] =	stream.indirect_vreg.gather [hbm4b:s2+s3], $0x80, v3, vm0, $0xb8;
	[tilespmem:$0x1A000] =	vst v63  }
0x131: {  	_ = 	snop  }
0x132: {  	[tilespmem:s16], [sflag:$0x5] =	stream.indirect_vreg.gather [hbm4b:s5+s3], $0x80, v3, vm0, $0xb8;
	[tilespmem:$0x1A000] =	vst v63  }
0x133: {  	_ = 	snop  }
0x134: {  	[tilespmem:s20], [sflag:$0x5] =	stream.indirect_vreg.gather [hbm4b:s6+s3], $0x80, v3, vm0, $0xb8;
	[tilespmem:$0x1A000] =	vst v63  }
0x135: {  	_ = 	snop  }
0x136: {  	[tilespmem:s26], [sflag:$0x5] =	stream.indirect_vreg.gather [hbm4b:s8+s3], $0x80, v3, vm0, $0xb8;
	[tilespmem:$0x1A000] =	vst v63  }
0x137: {  	_ =	swait.ge [sflag:s30], $0x4000  }
0x138: {  	[sflag:s30] =	ssyncset.done $0x0  }
0x139: {  	[sflag:s30] =	ssyncadd.s32 $0xFFFFC000  }
0x13a: {  	v3 =	vld [tilespmem:s24+$0x0];
	_ =	sdelay $0x4  }
0x13b: {  	v63 =	vshll.u32 v3, $0x3  }
0x13c: {  	v3 =	vand.u32 $0x7, v3;
	v4 =	vand.u32 $0xFFFFFFC0, v63  }
0x13d: {  	v3 =	vor.u32 v3, v4  }
0x13e: {  	v4 =	vperm.xlane v3, v0;
	_ =	sdelay $0x1  }
0x13f: {  	v4 =	vadd.s32 v1, v4;
	_ =	sdelay $0x3  }
0x140: {  	s15 =	simm.s32 $0x16000  }
0x141: {  	[tilespmem:s15], [sflag:$0x6] =	stream.indirect_vreg.gather [hbm4b:s2+s3], $0x80, v4, vm0, $0xb8;
	[tilespmem:$0x1A000] =	vst v63  }
0x142: {  	s25 =	simm.s32 $0x16800;
	v3 =	vperm.xlane v3, v2  }
0x143: {  	[tilespmem:s25], [sflag:$0x6] =	stream.indirect_vreg.gather [hbm4b:s5+s3], $0x80, v4, vm0, $0xb8;
	[tilespmem:$0x1A000] =	vst v63  }
0x144: {  	v3 =	vadd.s32 v1, v3;
	s15 =	simm.s32 $0x17000  }
0x145: {  	[tilespmem:s15], [sflag:$0x6] =	stream.indirect_vreg.gather [hbm4b:s6+s3], $0x80, v4, vm0, $0xb8;
	[tilespmem:$0x1A000] =	vst v63  }
0x146: {  	s25 =	simm.s32 $0x17800  }
0x147: {  	[tilespmem:s25], [sflag:$0x6] =	stream.indirect_vreg.gather [hbm4b:s8+s3], $0x80, v4, vm0, $0xb8;
	[tilespmem:$0x1A000] =	vst v63  }
0x148: {  	s15 =	simm.s32 $0x18000  }
0x149: {  	[tilespmem:s15], [sflag:$0x6] =	stream.indirect_vreg.gather [hbm4b:s2+s3], $0x80, v3, vm0, $0xb8;
	[tilespmem:$0x1A000] =	vst v63  }
0x14a: {  	s25 =	simm.s32 $0x18800  }
0x14b: {  	[tilespmem:s25], [sflag:$0x6] =	stream.indirect_vreg.gather [hbm4b:s5+s3], $0x80, v3, vm0, $0xb8;
	[tilespmem:$0x1A000] =	vst v63  }
0x14c: {  	s15 =	simm.s32 $0x19000  }
0x14d: {  	[tilespmem:s15], [sflag:$0x6] =	stream.indirect_vreg.gather [hbm4b:s6+s3], $0x80, v3, vm0, $0xb8;
	[tilespmem:$0x1A000] =	vst v63  }
0x14e: {  	s25 =	simm.s32 $0x19800  }
0x14f: {  	[tilespmem:s25], [sflag:$0x6] =	stream.indirect_vreg.gather [hbm4b:s8+s3], $0x80, v3, vm0, $0xb8;
	[tilespmem:$0x1A000] =	vst v63  }
0x150: {  	_ =	swait.ge [sflag:s0], $0x4000  }
0x151: {  	s15 =	rddreg [dreg:$0x4]  }
0x152: {  	[sflag:s0] =	ssyncset.done $0x0;
	s25 =	sadd.s32 s14, s15  }
0x153: {  	[sflag:s0] =	ssyncadd.s32 $0xFFFFC000;
	s31 =	sadd.s32 $0x3000, s25  }
0x154: {  	[hbm4b:s31+s3] =	stream.linear.scatter [tilespmem:s29], [sflag:$0x7], $0x4000, $0x38;
	[tilespmem:$0x1A000] =	vst v63  }
0x155: {  	_ =	swait.ge [sflag:s17], $0x4000  }
0x156: {  	[sflag:s17] =	ssyncset.done $0x0  }
0x157: {  	s31 =	sadd.s32 $0x3800, s25;
	[sflag:s17] =	ssyncadd.s32 $0xFFFFC000  }
0x158: {  	[hbm4b:s31+s3] =	stream.linear.scatter [tilespmem:s11], [sflag:$0x8], $0x4000, $0x38;
	[tilespmem:$0x1A000] =	vst v63  }
0x159: {  	_ =	swait.ge [sflag:s4], $0x4000  }
0x15a: {  	[sflag:s4] =	ssyncset.done $0x0  }
0x15b: {  	s31 =	sadd.s32 $0x4000, s25;
	[sflag:s4] =	ssyncadd.s32 $0xFFFFC000  }
0x15c: {  	[hbm4b:s31+s3] =	stream.linear.scatter [tilespmem:s28], [sflag:$0x9], $0x4000, $0x38;
	[tilespmem:$0x1A000] =	vst v63  }
0x15d: {  	_ =	swait.ge [sflag:s18], $0x4000  }
0x15e: {  	[sflag:s18] =	ssyncset.done $0x0  }
0x15f: {  	s31 =	sadd.s32 $0x4800, s25;
	[sflag:s18] =	ssyncadd.s32 $0xFFFFC000  }
0x160: {  	[hbm4b:s31+s3] =	stream.linear.scatter [tilespmem:s12], [sflag:$0xA], $0x4000, $0x38;
	[tilespmem:$0x1A000] =	vst v63  }
0x161: {  	_ =	swait.ge [sflag:s9], $0x4000  }
0x162: {  	p0 =	sne.s32 s14, $0x18000;
	[sflag:s9] =	ssyncset.done $0x0  }
0x163: {  	s28 =	simm.s32 $0x12000;
	s31 =	sadd.s32 $0x5000, s25;
	[sflag:s9] =	ssyncadd.s32 $0xFFFFC000  }
0x164: {  	[hbm4b:s31+s3] =	stream.linear.scatter [tilespmem:s28], [sflag:$0xB], $0x4000, $0x38;
	[tilespmem:$0x1A000] =	vst v63  }
.Ltmp0:
0x165: {  	_ = 	snop;
	(pc) =	sbr.rel @p0 .LBB2_2-.Ltmp0, $4  }
0x166: {  	s24 =	sadd.s32 $0x300, s24;
	_ =	swait.ge [sflag:s10], $0x4000  }
0x167: {  	s14 =	sadd.s32 $0x3000, s14;
	s29 =	simm.s32 $0x16000;
	[sflag:s10] =	ssyncset.done $0x0  }
0x168: {  	s25 =	sadd.s32 $0x5800, s25;
	s31 =	simm.s32 $0x12800;
	[sflag:s10] =	ssyncadd.s32 $0xFFFFC000  }
0x169: {  	[hbm4b:s25+s3] =	stream.linear.scatter [tilespmem:s29], [sflag:$0xC], $0x4000, $0x38;
	[tilespmem:$0x1A000] =	vst v63  }
0x16a: {  	_ =	swait.ge [sflag:s19], $0x4000  }
0x16b: {  	[sflag:s19] =	ssyncset.done $0x0  }
0x16c: {  	[sflag:s19] =	ssyncadd.s32 $0xFFFFC000  }
0x16d: {  	v3 =	vld [tilespmem:$0x1E00];
	_ =	sdelay $0x4  }
0x16e: {  	v4 =	vshll.u32 v3, $0x3  }
0x16f: {  	v3 =	vand.u32 $0x7, v3;
	v4 =	vand.u32 $0xFFFFFFC0, v4  }
0x170: {  	v3 =	vor.u32 v3, v4  }
0x171: {  	v4 =	vperm.xlane v3, v0;
	_ =	sdelay $0x1  }
0x172: {  	v4 =	vadd.s32 v1, v4;
	_ =	sdelay $0x3  }
0x173: {  	s1 =	simm.s32 $0x2000  }
0x174: {  	[tilespmem:s1], [sflag:$0x1] =	stream.indirect_vreg.gather [hbm4b:s2+s3], $0x80, v4, vm0, $0xb8;
	[tilespmem:$0x1A000] =	vst v63  }
0x175: {  	s14 =	simm.s32 $0x2800;
	v3 =	vperm.xlane v3, v2  }
0x176: {  	[tilespmem:s14], [sflag:$0x1] =	stream.indirect_vreg.gather [hbm4b:s5+s3], $0x80, v4, vm0, $0xb8;
	[tilespmem:$0x1A000] =	vst v63  }
0x177: {  	s15 =	simm.s32 $0x3000;
	v3 =	vadd.s32 v1, v3  }
0x178: {  	[tilespmem:s15], [sflag:$0x1] =	stream.indirect_vreg.gather [hbm4b:s6+s3], $0x80, v4, vm0, $0xb8;
	[tilespmem:$0x1A000] =	vst v63  }
0x179: {  	s16 =	simm.s32 $0x3800  }
0x17a: {  	[tilespmem:s16], [sflag:$0x1] =	stream.indirect_vreg.gather [hbm4b:s8+s3], $0x80, v4, vm0, $0xb8;
	[tilespmem:$0x1A000] =	vst v63  }
0x17b: {  	s20 =	simm.s32 $0x4000  }
0x17c: {  	[tilespmem:s20], [sflag:$0x1] =	stream.indirect_vreg.gather [hbm4b:s2+s3], $0x80, v3, vm0, $0xb8;
	[tilespmem:$0x1A000] =	vst v63  }
0x17d: {  	s24 =	simm.s32 $0x4800  }
0x17e: {  	[tilespmem:s24], [sflag:$0x1] =	stream.indirect_vreg.gather [hbm4b:s5+s3], $0x80, v3, vm0, $0xb8;
	[tilespmem:$0x1A000] =	vst v63  }
0x17f: {  	s25 =	simm.s32 $0x5000  }
0x180: {  	[tilespmem:s25], [sflag:$0x1] =	stream.indirect_vreg.gather [hbm4b:s6+s3], $0x80, v3, vm0, $0xb8;
	[tilespmem:$0x1A000] =	vst v63  }
0x181: {  	s26 =	simm.s32 $0x5800  }
0x182: {  	[tilespmem:s26], [sflag:$0x1] =	stream.indirect_vreg.gather [hbm4b:s8+s3], $0x80, v3, vm0, $0xb8;
	[tilespmem:$0x1A000] =	vst v63  }
0x183: {  	_ =	swait.ge [sflag:s21], $0x4000  }
0x184: {  	[sflag:s21] =	ssyncset.done $0x0  }
0x185: {  	[sflag:s21] =	ssyncadd.s32 $0xFFFFC000  }
0x186: {  	v3 =	vld [tilespmem:$0x1E80];
	_ =	sdelay $0x4  }
0x187: {  	v61 =	vshll.u32 v3, $0x3  }
0x188: {  	v3 =	vand.u32 $0x7, v3;
	v4 =	vand.u32 $0xFFFFFFC0, v61  }
0x189: {  	v3 =	vor.u32 v3, v4  }
0x18a: {  	v4 =	vperm.xlane v3, v0;
	_ =	sdelay $0x1  }
0x18b: {  	v4 =	vadd.s32 v1, v4;
	_ =	sdelay $0x3  }
0x18c: {  	s11 =	simm.s32 $0x6000  }
0x18d: {  	[tilespmem:s11], [sflag:$0x2] =	stream.indirect_vreg.gather [hbm4b:s2+s3], $0x80, v4, vm0, $0xb8;
	[tilespmem:$0x1A000] =	vst v63  }
0x18e: {  	s7 =	simm.s32 $0x6800;
	v3 =	vperm.xlane v3, v2  }
0x18f: {  	[tilespmem:s7], [sflag:$0x2] =	stream.indirect_vreg.gather [hbm4b:s5+s3], $0x80, v4, vm0, $0xb8;
	[tilespmem:$0x1A000] =	vst v63  }
0x190: {  	s12 =	simm.s32 $0x7000;
	v3 =	vadd.s32 v1, v3  }
0x191: {  	[tilespmem:s12], [sflag:$0x2] =	stream.indirect_vreg.gather [hbm4b:s6+s3], $0x80, v4, vm0, $0xb8;
	[tilespmem:$0x1A000] =	vst v63  }
0x192: {  	s15 =	simm.s32 $0x7800  }
0x193: {  	[tilespmem:s15], [sflag:$0x2] =	stream.indirect_vreg.gather [hbm4b:s8+s3], $0x80, v4, vm0, $0xb8;
	[tilespmem:$0x1A000] =	vst v63  }
0x194: {  	s16 =	simm.s32 $0x8000  }
0x195: {  	[tilespmem:s16], [sflag:$0x2] =	stream.indirect_vreg.gather [hbm4b:s2+s3], $0x80, v3, vm0, $0xb8;
	[tilespmem:$0x1A000] =	vst v63  }
0x196: {  	s20 =	simm.s32 $0x8800  }
0x197: {  	[tilespmem:s20], [sflag:$0x2] =	stream.indirect_vreg.gather [hbm4b:s5+s3], $0x80, v3, vm0, $0xb8;
	[tilespmem:$0x1A000] =	vst v63  }
0x198: {  	s24 =	simm.s32 $0x9000  }
0x199: {  	[tilespmem:s24], [sflag:$0x2] =	stream.indirect_vreg.gather [hbm4b:s6+s3], $0x80, v3, vm0, $0xb8;
	[tilespmem:$0x1A000] =	vst v63  }
0x19a: {  	s25 =	simm.s32 $0x9800  }
0x19b: {  	[tilespmem:s25], [sflag:$0x2] =	stream.indirect_vreg.gather [hbm4b:s8+s3], $0x80, v3, vm0, $0xb8;
	[tilespmem:$0x1A000] =	vst v63  }
0x19c: {  	_ =	swait.ge [sflag:s22], $0x4000  }
0x19d: {  	[sflag:s22] =	ssyncset.done $0x0  }
0x19e: {  	[sflag:s22] =	ssyncadd.s32 $0xFFFFC000  }
0x19f: {  	v3 =	vld [tilespmem:$0x1F00];
	_ =	sdelay $0x4  }
0x1a0: {  	v62 =	vshll.u32 v3, $0x3  }
0x1a1: {  	v3 =	vand.u32 $0x7, v3;
	v4 =	vand.u32 $0xFFFFFFC0, v62  }
0x1a2: {  	v3 =	vor.u32 v3, v4  }
0x1a3: {  	v4 =	vperm.xlane v3, v0;
	_ =	sdelay $0x1  }
0x1a4: {  	v4 =	vadd.s32 v1, v4;
	_ =	sdelay $0x3  }
0x1a5: {  	s15 =	simm.s32 $0xA000  }
0x1a6: {  	[tilespmem:s15], [sflag:$0x3] =	stream.indirect_vreg.gather [hbm4b:s2+s3], $0x80, v4, vm0, $0xb8;
	[tilespmem:$0x1A000] =	vst v63  }
0x1a7: {  	s26 =	simm.s32 $0xA800;
	v3 =	vperm.xlane v3, v2  }
0x1a8: {  	[tilespmem:s26], [sflag:$0x3] =	stream.indirect_vreg.gather [hbm4b:s5+s3], $0x80, v4, vm0, $0xb8;
	[tilespmem:$0x1A000] =	vst v63  }
0x1a9: {  	s7 =	simm.s32 $0xB000;
	v3 =	vadd.s32 v1, v3  }
0x1aa: {  	[tilespmem:s7], [sflag:$0x3] =	stream.indirect_vreg.gather [hbm4b:s6+s3], $0x80, v4, vm0, $0xb8;
	[tilespmem:$0x1A000] =	vst v63  }
0x1ab: {  	s12 =	simm.s32 $0xB800  }
0x1ac: {  	[tilespmem:s12], [sflag:$0x3] =	stream.indirect_vreg.gather [hbm4b:s8+s3], $0x80, v4, vm0, $0xb8;
	[tilespmem:$0x1A000] =	vst v63  }
0x1ad: {  	s16 =	simm.s32 $0xC000  }
0x1ae: {  	[tilespmem:s16], [sflag:$0x3] =	stream.indirect_vreg.gather [hbm4b:s2+s3], $0x80, v3, vm0, $0xb8;
	[tilespmem:$0x1A000] =	vst v63  }
0x1af: {  	s20 =	simm.s32 $0xC800  }
0x1b0: {  	[tilespmem:s20], [sflag:$0x3] =	stream.indirect_vreg.gather [hbm4b:s5+s3], $0x80, v3, vm0, $0xb8;
	[tilespmem:$0x1A000] =	vst v63  }
0x1b1: {  	s24 =	simm.s32 $0xD000  }
0x1b2: {  	[tilespmem:s24], [sflag:$0x3] =	stream.indirect_vreg.gather [hbm4b:s6+s3], $0x80, v3, vm0, $0xb8;
	[tilespmem:$0x1A000] =	vst v63  }
0x1b3: {  	s25 =	simm.s32 $0xD800  }
0x1b4: {  	[tilespmem:s25], [sflag:$0x3] =	stream.indirect_vreg.gather [hbm4b:s8+s3], $0x80, v3, vm0, $0xb8;
	[tilespmem:$0x1A000] =	vst v63  }
0x1b5: {  	_ =	swait.ge [sflag:s13], $0x4000  }
0x1b6: {  	[sflag:s13] =	ssyncset.done $0x0  }
0x1b7: {  	[sflag:s13] =	ssyncadd.s32 $0xFFFFC000  }
0x1b8: {  	v3 =	vld [tilespmem:$0x1F80];
	_ =	sdelay $0x4  }
0x1b9: {  	v63 =	vshll.u32 v3, $0x3  }
0x1ba: {  	v3 =	vand.u32 $0x7, v3;
	v4 =	vand.u32 $0xFFFFFFC0, v63  }
0x1bb: {  	v3 =	vor.u32 v3, v4  }
0x1bc: {  	v4 =	vperm.xlane v3, v0;
	_ =	sdelay $0x1  }
0x1bd: {  	v4 =	vadd.s32 v1, v4;
	_ =	sdelay $0x3  }
0x1be: {  	s7 =	simm.s32 $0xE000  }
0x1bf: {  	[tilespmem:s7], [sflag:$0x4] =	stream.indirect_vreg.gather [hbm4b:s2+s3], $0x80, v4, vm0, $0xb8;
	[tilespmem:$0x1A000] =	vst v63  }
0x1c0: {  	s26 =	simm.s32 $0xE800;
	v3 =	vperm.xlane v3, v2  }
0x1c1: {  	[tilespmem:s26], [sflag:$0x4] =	stream.indirect_vreg.gather [hbm4b:s5+s3], $0x80, v4, vm0, $0xb8;
	[tilespmem:$0x1A000] =	vst v63  }
0x1c2: {  	s12 =	simm.s32 $0xF000;
	v3 =	vadd.s32 v1, v3  }
0x1c3: {  	[tilespmem:s12], [sflag:$0x4] =	stream.indirect_vreg.gather [hbm4b:s6+s3], $0x80, v4, vm0, $0xb8;
	[tilespmem:$0x1A000] =	vst v63  }
0x1c4: {  	s16 =	simm.s32 $0xF800  }
0x1c5: {  	[tilespmem:s16], [sflag:$0x4] =	stream.indirect_vreg.gather [hbm4b:s8+s3], $0x80, v4, vm0, $0xb8;
	[tilespmem:$0x1A000] =	vst v63  }
0x1c6: {  	s20 =	simm.s32 $0x10000  }
0x1c7: {  	[tilespmem:s20], [sflag:$0x4] =	stream.indirect_vreg.gather [hbm4b:s2+s3], $0x80, v3, vm0, $0xb8;
	[tilespmem:$0x1A000] =	vst v63  }
0x1c8: {  	s24 =	simm.s32 $0x10800  }
0x1c9: {  	[tilespmem:s24], [sflag:$0x4] =	stream.indirect_vreg.gather [hbm4b:s5+s3], $0x80, v3, vm0, $0xb8;
	[tilespmem:$0x1A000] =	vst v63  }
0x1ca: {  	s25 =	simm.s32 $0x11000  }
0x1cb: {  	[tilespmem:s25], [sflag:$0x4] =	stream.indirect_vreg.gather [hbm4b:s6+s3], $0x80, v3, vm0, $0xb8;
	[tilespmem:$0x1A000] =	vst v63  }
0x1cc: {  	s26 =	simm.s32 $0x11800  }
0x1cd: {  	[tilespmem:s26], [sflag:$0x4] =	stream.indirect_vreg.gather [hbm4b:s8+s3], $0x80, v3, vm0, $0xb8;
	[tilespmem:$0x1A000] =	vst v63  }
0x1ce: {  	_ =	swait.ge [sflag:s0], $0x4000  }
0x1cf: {  	[sflag:s0] =	ssyncset.done $0x0  }
0x1d0: {  	s12 =	rddreg [dreg:$0xc];
	[sflag:s0] =	ssyncadd.s32 $0xFFFFC000  }
0x1d1: {  	[hbm4b:s12+s3] =	stream.linear.scatter [tilespmem:s1], [sflag:$0x7], $0x4000, $0x38;
	[tilespmem:$0x1A000] =	vst v63  }
0x1d2: {  	_ =	swait.ge [sflag:s17], $0x4000  }
0x1d3: {  	[sflag:s17] =	ssyncset.done $0x0  }
0x1d4: {  	s16 =	rddreg [dreg:$0xd];
	[sflag:s17] =	ssyncadd.s32 $0xFFFFC000  }
0x1d5: {  	[hbm4b:s16+s3] =	stream.linear.scatter [tilespmem:s11], [sflag:$0x8], $0x4000, $0x38;
	[tilespmem:$0x1A000] =	vst v63  }
0x1d6: {  	_ =	swait.ge [sflag:s4], $0x4000  }
0x1d7: {  	[sflag:s4] =	ssyncset.done $0x0  }
0x1d8: {  	s20 =	rddreg [dreg:$0xe];
	[sflag:s4] =	ssyncadd.s32 $0xFFFFC000  }
0x1d9: {  	[hbm4b:s20+s3] =	stream.linear.scatter [tilespmem:s15], [sflag:$0x9], $0x4000, $0x38;
	[tilespmem:$0x1A000] =	vst v63  }
0x1da: {  	_ =	swait.ge [sflag:s18], $0x4000  }
0x1db: {  	[sflag:s18] =	ssyncset.done $0x0  }
0x1dc: {  	s24 =	rddreg [dreg:$0xf];
	[sflag:s18] =	ssyncadd.s32 $0xFFFFC000  }
0x1dd: {  	[hbm4b:s24+s3] =	stream.linear.scatter [tilespmem:s7], [sflag:$0xA], $0x4000, $0x38;
	[tilespmem:$0x1A000] =	vst v63  }
0x1de: {  	_ =	swait.ge [sflag:s23], $0x4000  }
0x1df: {  	[sflag:s23] =	ssyncset.done $0x0  }
0x1e0: {  	[sflag:s23] =	ssyncadd.s32 $0xFFFFC000  }
0x1e1: {  	_ =	swait.ge [sflag:s30], $0x4000  }
0x1e2: {  	[sflag:s30] =	ssyncset.done $0x0  }
0x1e3: {  	[sflag:s30] =	ssyncadd.s32 $0xFFFFC000  }
0x1e4: {  	_ =	swait.ge [sflag:s19], $0x4000  }
0x1e5: {  	[sflag:s19] =	ssyncset.done $0x0  }
0x1e6: {  	[sflag:s19] =	ssyncadd.s32 $0xFFFFC000  }
0x1e7: {  	_ =	swait.ge [sflag:s21], $0x4000  }
0x1e8: {  	[sflag:s21] =	ssyncset.done $0x0  }
0x1e9: {  	[sflag:s21] =	ssyncadd.s32 $0xFFFFC000  }
0x1ea: {  	_ =	swait.ge [sflag:s22], $0x4000  }
0x1eb: {  	[sflag:s22] =	ssyncset.done $0x0  }
0x1ec: {  	[sflag:s22] =	ssyncadd.s32 $0xFFFFC000  }
0x1ed: {  	_ =	swait.ge [sflag:s13], $0x4000  }
0x1ee: {  	s25 =	rddreg [dreg:$0x11]  }
0x1ef: {  	s26 =	rddreg [dreg:$0x10];
	s7 =	sadd.s32 $0x1, s25  }
0x1f0: {  	p0 =	sne.s32 s7, s26  }
.Ltmp1:
0x1f1: {  	_ = 	snop;
	(pc) =	sbr.rel @p0 .LBB2_1-.Ltmp1, $4  }
0x1f2: {  	_ = 	snop  }
0x1f3: {  	s1 =	simm.s32 $0x14000;
	s12 =	simm.s32 $0x15800  }
0x1f4: {  	s16 =	simm.s32 $0x14800;
	s15 =	simm.s32 $0x13800;
	[sflag:s13] =	ssyncset.done $0x0  }
0x1f5: {  	s20 =	simm.s32 $0x15000;
	s24 =	simm.s32 $0x13000;
	[sflag:s13] =	ssyncadd.s32 $0xFFFFC000  }
0x1f6: {  	_ =	sfence.sel $0x180000  }
0x1f7: {  	[bflag:$0x0] =	sbarrier.arrive $0xFFFF  }
0x1f8: {  	_ =	strace $0x90000047  }
0x1f9: {  	s0 =	stileid.u32;
	[bflag:$0x2] =	sbarrier.arrive $0xFFFF  }
0x1fa: {  	p0 =	sne.s32 s0, $0x0;
	s0 =	rddreg [dreg:$0x3]  }
0x1fb: {  	s0 =	sadd.s32 @!p0 $0x100000, s0  }
0x1fc: {  	[sflag:s0] =	ssyncadd.tile.s32 @!p0 $0x1;
	_ =	shalt  }
.Lfunc_end2:
_tile_overlayer_lowered:
.L_overlay_start_2:
0x1fd: {  	(tag) =	ssettag $0x2  }
0x1fe: {  	s0 =	rddreg [dreg:$0x0];
	s2 =	stileid.u32  }
0x1ff: {  	s1 =	rddreg [dreg:$0x1];
	p0 =	sne.s32 s2, $0x0  }
0x200: {  	s3 =	rddreg [dreg:$0x2];
	[bflag:$0x3] =	sbarrier.arrive $0xFFFF;
	s2 =	simm.s32 @!p0 $0x1C0D  }
0x201: {  	[timem:s3], [sflag:s2] =	dma.local @!p0 [hbm:s0], s1  }
0x202: {  	s0 =	simm.s32 @!p0 $0xD  }
0x203: {  	_ =	swait.ge @!p0 [sflag:s0], s1  }
0x204: {  	s1 =	ssub.s32 @!p0 $0x0, s1;
	[sflag:s0] =	ssyncset.done @!p0 $0x0  }
0x205: {  	[sflag:s0] =	ssyncadd.s32 @!p0 s1  }
0x206: {  	[bflag:$0x3] =	sbarrier.arrive $0xFFFF  }
0x207: {  	_ =	shalt  }

</sc_bundles>
